<compile_context>
chip_gen: v7x
topology: tpu7x:2x2x1
jax: 0.10.2.dev20260603
libtpu: 0.0.44.dev20260713+nightly
codegen_flags: <defaults>
</compile_context>

<pallas_src>
import functools

import jax
import jax.numpy as jnp
from jax import lax
from jax.experimental import pallas as pl
from jax.experimental.pallas import tpu as pltpu
from jax.experimental.pallas import tpu_sc as plsc

N_NODES = 10000
N_EDGES = 320000
D = 128
DH = D // 2

NC = 2
NS = 16

CHUNK = 125
EROWS = N_EDGES // CHUNK
ROWS_PER_TILE = EROWS // NS
DEG_SPLIT = ROWS_PER_TILE // 2
NODES_PER_TILE = N_NODES // NS
ZCH = 125
WB_ROWS = NODES_PER_TILE // 8 * 8
DEG_W = 16


def _prime(nbuf, x_hbm, src_v, bufs, gsems):
    for b in range(nbuf):
        pltpu.async_copy(x_hbm.at[src_v.at[b]], bufs[b], gsems[b])


def _edge_loop_merged(nbuf, x_hbm, src_v, dst_v, bufs, ones_v, agg_sh,
                      deg_sh, gsems, ssems, dsem, deg_lo, deg_hi):
    full = ROWS_PER_TILE - ROWS_PER_TILE % nbuf

    def _slot(k, b):
        pltpu.make_async_copy(x_hbm.at[src_v.at[k]], bufs[b], gsems[b]).wait()
        sdesc = pltpu.async_copy(bufs[b], agg_sh.at[dst_v.at[k]],
                                 ssems[b], add=True)

        if deg_sh is not None:
            @pl.when((k >= deg_lo) & (k < deg_hi))
            def _():
                pltpu.async_copy(ones_v, deg_sh.at[dst_v.at[k]], dsem,
                                 add=True)

            @pl.when((k > deg_lo) & (k < deg_hi))
            def _():
                pltpu.make_async_copy(ones_v, deg_sh.at[dst_v.at[k - 1]],
                                      dsem).wait()

        sdesc.wait()

        @pl.when(k + nbuf < ROWS_PER_TILE)
        def _():
            pltpu.async_copy(x_hbm.at[src_v.at[k + nbuf]], bufs[b], gsems[b])

    @pl.loop(0, full, step=nbuf)
    def _(c):
        for b in range(nbuf):
            _slot(c + b, b)

    for i in range(ROWS_PER_TILE % nbuf):
        _slot(full + i, i)

    if deg_sh is not None:
        pltpu.make_async_copy(ones_v, deg_sh.at[dst_v.at[deg_hi - 1]],
                              dsem).wait()


def _sc_agg_body(with_deg, nbuf, *refs):
    if with_deg:
        (e_hbm, xs_hbm, out_hbm, deg_hbm, src_v, dst_v,
         b0, b1, b2, b3, zero_v, ones_v, zdeg_v, agg_sh, deg_sh,
         gsem, ssem, dsem) = refs
    else:
        (e_hbm, xs_hbm, out_hbm, src_v, dst_v,
         b0, b1, b2, b3, zero_v, agg_sh,
         gsem, ssem) = refs
        ones_v = zdeg_v = deg_sh = deg_hbm = dsem = None
    bufs = (b0, b1, b2, b3)[:nbuf]
    gsems = (gsem,) * nbuf
    ssems = (ssem,) * nbuf

    cid = lax.axis_index("c")
    sid = lax.axis_index("s")

    zf32 = jnp.zeros((16,), jnp.float32)
    of32 = jnp.full((16,), 1.0, jnp.float32)

    @pl.loop(0, ZCH)
    def _(i):
        for j in range(DH // 16):
            zero_v[i, pl.ds(16 * j, 16)] = zf32
        if with_deg:
            ones_v[i, :] = of32
            zdeg_v[i, :] = zf32

    node_base = sid * NODES_PER_TILE
    for k in range(NODES_PER_TILE // ZCH):
        pltpu.sync_copy(zero_v, agg_sh.at[pl.ds(node_base + k * ZCH, ZCH)])
        if with_deg:
            pltpu.sync_copy(zdeg_v, deg_sh.at[pl.ds(node_base + k * ZCH, ZCH)])

    row_base = sid * ROWS_PER_TILE
    pltpu.sync_copy(e_hbm.at[cid, pl.ds(row_base, ROWS_PER_TILE)], src_v)
    pltpu.sync_copy(e_hbm.at[2, pl.ds(row_base, ROWS_PER_TILE)], dst_v)

    _prime(nbuf, xs_hbm, src_v, bufs, gsems)

    plsc.subcore_barrier()

    deg_lo = cid * DEG_SPLIT
    _edge_loop_merged(nbuf, xs_hbm, src_v, dst_v, bufs, ones_v, agg_sh,
                      deg_sh, gsems, ssems, dsem, deg_lo, deg_lo + DEG_SPLIT)

    plsc.subcore_barrier()

    wb_base = sid * WB_ROWS
    pltpu.sync_copy(agg_sh.at[pl.ds(wb_base, WB_ROWS)],
                    out_hbm.at[cid, pl.ds(wb_base, WB_ROWS)])
    if with_deg:
        pltpu.sync_copy(deg_sh.at[pl.ds(wb_base, WB_ROWS)],
                        deg_hbm.at[cid, pl.ds(wb_base, WB_ROWS)])

    @pl.when(sid == 0)
    def _():
        tail = N_NODES - NS * WB_ROWS
        pltpu.sync_copy(agg_sh.at[pl.ds(NS * WB_ROWS, tail)],
                        out_hbm.at[cid, pl.ds(NS * WB_ROWS, tail)])
        if with_deg:
            pltpu.sync_copy(deg_sh.at[pl.ds(NS * WB_ROWS, tail)],
                            deg_hbm.at[cid, pl.ds(NS * WB_ROWS, tail)])


def _make_sc(with_deg, nbuf):
    out_type = [jax.ShapeDtypeStruct((NC, N_NODES, DH), jnp.float32)]
    scratch = [
        pltpu.VMEM((ROWS_PER_TILE, CHUNK), jnp.int32),
        pltpu.VMEM((ROWS_PER_TILE, CHUNK), jnp.int32),
    ]
    scratch += [pltpu.VMEM((CHUNK, DH), jnp.float32)] * 4
    scratch.append(pltpu.VMEM((ZCH, DH), jnp.float32))
    if with_deg:
        out_type.append(jax.ShapeDtypeStruct((NC, N_NODES, DEG_W), jnp.float32))
        scratch += [
            pltpu.VMEM((CHUNK, DEG_W), jnp.float32),
            pltpu.VMEM((ZCH, DEG_W), jnp.float32),
        ]
    scratch.append(pltpu.VMEM_SHARED((N_NODES, DH), jnp.float32))
    if with_deg:
        scratch.append(pltpu.VMEM_SHARED((N_NODES, DEG_W), jnp.float32))
    scratch += [pltpu.SemaphoreType.DMA] * (3 if with_deg else 2)

    return pl.kernel(
        functools.partial(_sc_agg_body, with_deg, nbuf),
        out_type=tuple(out_type) if with_deg else out_type[0],
        mesh=plsc.VectorSubcoreMesh(core_axis_name="c", subcore_axis_name="s",
                                    num_cores=NC, num_subcores=NS),
        scratch_types=tuple(scratch),
        compiler_params=pltpu.CompilerParams(use_tc_tiling_on_sc=False),
        name="sc_sage_agg_deg" if with_deg else "sc_sage_agg",
    )


_sc_agg_deg = _make_sc(True, 3)
_sc_agg2 = _make_sc(False, 4)


def _tc_body(relu, p_ref, dp_ref, x_ref, wl_ref, b_ref, wr_ref, o_ref):
    deg = dp_ref[0, :, 0:1] + dp_ref[1, :, 0:1]
    agg = jnp.concatenate((p_ref[0], p_ref[1]), axis=1)
    a = agg / jnp.maximum(deg, 1.0)
    o = (jnp.dot(a, wl_ref[...], preferred_element_type=jnp.float32)
         + b_ref[...]
         + jnp.dot(x_ref[...], wr_ref[...], preferred_element_type=jnp.float32))
    o_ref[...] = jnp.maximum(o, 0.0) if relu else o


def _make_tc(relu):
    return pl.pallas_call(
        functools.partial(_tc_body, relu),
        out_shape=jax.ShapeDtypeStruct((N_NODES, D), jnp.float32),
    )


_tc1 = _make_tc(True)
_tc2 = _make_tc(False)


@jax.jit
def kernel(x, edge_index, W1l, b1, W1r, W2l, b2, W2r):
    src2 = edge_index[0] * 2
    e4 = jnp.stack([src2, src2 + 1, edge_index[1]]).reshape(3, EROWS, CHUNK)

    agg1, degp = _sc_agg_deg(e4, x.reshape(2 * N_NODES, DH))
    h = _tc1(agg1, degp, x, W1l.T, b1.reshape(1, D), W1r.T)
    agg2 = _sc_agg2(e4, h.reshape(2 * N_NODES, DH))
    out = _tc2(agg2, degp, h, W2l.T, b2.reshape(1, D), W2r.T)
    return out

# --- scband reference (transcript-rebuilt; emitter-appended) ---
"""Pipeline reference for scband-graph-sagefor-link-prediction-79096117723240 (READ-ONLY COPY).

The authoritative reference and input builder live on the scoring server;
editing this copy changes nothing except your own understanding.
"""

import jax, jax.numpy as jnp
import numpy as np

N = 10000
E = 320000
D_IN = 128
D_HID = 128
D_OUT = 128


def setup_inputs(seed: int = 0) -> dict:
    key = jax.random.key(seed)
    ks = jax.random.split(key, 8)
    x = jax.random.normal(ks[0], (N, D_IN), dtype=jnp.float32)
    edge_index = jax.random.randint(ks[1], (2, E), 0, N, dtype=jnp.int32)
    s1 = 1.0 / np.sqrt(D_IN)
    s2 = 1.0 / np.sqrt(D_HID)
    W1l = jax.random.uniform(ks[2], (D_HID, D_IN), minval=-s1, maxval=s1, dtype=jnp.float32)
    b1 = jnp.zeros((D_HID,), dtype=jnp.float32)
    W1r = jax.random.uniform(ks[3], (D_HID, D_IN), minval=-s1, maxval=s1, dtype=jnp.float32)
    W2l = jax.random.uniform(ks[4], (D_OUT, D_HID), minval=-s2, maxval=s2, dtype=jnp.float32)
    b2 = jnp.zeros((D_OUT,), dtype=jnp.float32)
    W2r = jax.random.uniform(ks[5], (D_OUT, D_HID), minval=-s2, maxval=s2, dtype=jnp.float32)
    return {"x": x, "edge_index": edge_index, "W1l": W1l, "b1": b1, "W1r": W1r, "W2l": W2l, "b2": b2, "W2r": W2r}


def _sage_conv(x, edge_index, Wl, b, Wr):
    # PyG SAGEConv (mean aggregation): out = lin_l(mean_j x_j) + lin_r(x_i)
    src = edge_index[0]
    dst = edge_index[1]
    msg = jnp.take(x, src, axis=0)
    agg_sum = jax.ops.segment_sum(msg, dst, num_segments=N)
    deg = jax.ops.segment_sum(jnp.ones((edge_index.shape[1],), dtype=x.dtype), dst, num_segments=N)
    agg_mean = agg_sum / jnp.clip(deg, 1.0, None)[:, None]
    return agg_mean @ Wl.T + b + x @ Wr.T


def reference(x, edge_index, W1l, b1, W1r, W2l, b2, W2r):
    h = jax.nn.relu(_sage_conv(x, edge_index, W1l, b1, W1r))
    out = _sage_conv(h, edge_index, W2l, b2, W2r)
    return out

if __name__ == "__main__":
    import jax
    _d = setup_inputs()
    print(jax.jit(kernel)(*tuple(_d.values())))

</pallas_src>

<mosaic_0001>
#map = affine_map<(d0, d1) -> (0, 0, 0)>
#map1 = affine_map<(d0, d1) -> (0, 0)>
module attributes {stable_mosaic.version = 14 : i64} {
  func.func @sc_sage_agg(%arg0: i32, %arg1: i32, %arg2: memref<3x2560x125xi32, #tpu.memory_space<hbm>>, %arg3: memref<20000x64xf32, #tpu.memory_space<hbm>>, %arg4: memref<2x10000x64xf32, #tpu.memory_space<hbm>>, %arg5: memref<160x125xi32, #tpu.memory_space<vmem>>, %arg6: memref<160x125xi32, #tpu.memory_space<vmem>>, %arg7: memref<125x64xf32, #tpu.memory_space<vmem>>, %arg8: memref<125x64xf32, #tpu.memory_space<vmem>>, %arg9: memref<125x64xf32, #tpu.memory_space<vmem>>, %arg10: memref<125x64xf32, #tpu.memory_space<vmem>>, %arg11: memref<125x64xf32, #tpu.memory_space<vmem>>, %arg12: memref<10000x64xf32, #tpu.memory_space<vmem_shared>>, %arg13: memref<!tpu.dma_semaphore, #tpu.memory_space<semaphore_mem>>, %arg14: memref<!tpu.dma_semaphore, #tpu.memory_space<semaphore_mem>>) attributes {dimension_semantics = [#tpu.dimension_semantics<core_parallel>, #tpu.dimension_semantics<subcore_parallel>], iteration_bounds = array<i64: 2, 16>, scalar_prefetch = 0 : i64, scratch_operands = 10 : i64, tpu.core_type = #tpu.core_type<sc_vector_subcore>, window_params = [{transform_indices = #map}, {transform_indices = #map1}, {transform_indices = #map}]} {
    %broadcast_in_dim3A = arith.constant 0.000000e+00 : f32
    %broadcast_in_dim3A_0 = vector.broadcast %broadcast_in_dim3A : f32 to vector<16xf32>
    %broadcast_in_dim3A_1 = arith.constant 1.000000e+00 : f32
    %broadcast_in_dim3A_2 = vector.broadcast %broadcast_in_dim3A_1 : f32 to vector<16xf32>
    %scan3A = arith.constant 0 : i32
    %scan3A_3 = arith.constant 125 : i32
    %scan3A_4 = arith.addi %scan3A, %scan3A_3 : i32
    %scan3A_5 = arith.constant 1 : i32
    scf.for %scan3A_60 = %scan3A to %scan3A_4 step %scan3A_5  : i32 {
      %mul3A_61 = arith.constant 1 : i32
      %mul3A_62 = arith.muli %scan3A_60, %mul3A_61 : i32
      %add3A_63 = arith.constant 0 : i32
      %add3A_64 = arith.addi %add3A_63, %mul3A_62 : i32
      %swap3A = arith.index_cast %add3A_64 : i32 to index
      %swap3A_65 = arith.constant 0 : index
      %swap3A_66 = tpu.vector_load %arg11[%swap3A, %swap3A_65] {strides = array<i32>} : memref<125x64xf32, #tpu.memory_space<vmem>>, vector<1x16xf32>,
      %swap3A_67 = vector.shape_cast %swap3A_66 : vector<1x16xf32> to vector<16xf32>
      %swap3A_68 = vector.shape_cast %broadcast_in_dim3A_0 : vector<16xf32> to vector<1x16xf32>
      tpu.vector_store %arg11[%swap3A, %swap3A_65], %swap3A_68 {strides = array<i32>} : memref<125x64xf32, #tpu.memory_space<vmem>>, vector<1x16xf32>,
      %swap3A_69 = arith.index_cast %add3A_64 : i32 to index
      %swap3A_70 = arith.constant 16 : index
      %swap3A_71 = tpu.vector_load %arg11[%swap3A_69, %swap3A_70] {strides = array<i32>} : memref<125x64xf32, #tpu.memory_space<vmem>>, vector<1x16xf32>,
      %swap3A_72 = vector.shape_cast %swap3A_71 : vector<1x16xf32> to vector<16xf32>
      %swap3A_73 = vector.shape_cast %broadcast_in_dim3A_0 : vector<16xf32> to vector<1x16xf32>
      tpu.vector_store %arg11[%swap3A_69, %swap3A_70], %swap3A_73 {strides = array<i32>} : memref<125x64xf32, #tpu.memory_space<vmem>>, vector<1x16xf32>,
      %swap3A_74 = arith.index_cast %add3A_64 : i32 to index
      %swap3A_75 = arith.constant 32 : index
      %swap3A_76 = tpu.vector_load %arg11[%swap3A_74, %swap3A_75] {strides = array<i32>} : memref<125x64xf32, #tpu.memory_space<vmem>>, vector<1x16xf32>,
      %swap3A_77 = vector.shape_cast %swap3A_76 : vector<1x16xf32> to vector<16xf32>
      %swap3A_78 = vector.shape_cast %broadcast_in_dim3A_0 : vector<16xf32> to vector<1x16xf32>
      tpu.vector_store %arg11[%swap3A_74, %swap3A_75], %swap3A_78 {strides = array<i32>} : memref<125x64xf32, #tpu.memory_space<vmem>>, vector<1x16xf32>,
      %swap3A_79 = arith.index_cast %add3A_64 : i32 to index
      %swap3A_80 = arith.constant 48 : index
      %swap3A_81 = tpu.vector_load %arg11[%swap3A_79, %swap3A_80] {strides = array<i32>} : memref<125x64xf32, #tpu.memory_space<vmem>>, vector<1x16xf32>,
      %swap3A_82 = vector.shape_cast %swap3A_81 : vector<1x16xf32> to vector<16xf32>
      %swap3A_83 = vector.shape_cast %broadcast_in_dim3A_0 : vector<16xf32> to vector<1x16xf32>
      tpu.vector_store %arg11[%swap3A_79, %swap3A_80], %swap3A_83 {strides = array<i32>} : memref<125x64xf32, #tpu.memory_space<vmem>>, vector<1x16xf32>,
    }
    %scan3A_6 = arith.constant 125 : i32
    %mul3A = arith.constant 625 : i32
    %mul3A_7 = arith.muli %arg1, %mul3A : i32
    %add3A = arith.constant 0 : i32
    %add3A_8 = arith.addi %mul3A_7, %add3A : i32
    "tpu.region"() ({
      %run_scoped3A_60 = tpu.sem_alloc : memref<!tpu.dma_semaphore, #tpu.memory_space<semaphore_mem>>
      %dma_start3A_61 = arith.constant 0 : i32
      %dma_start3A_62 = tpu.memref_slice %arg12[%add3A_8, %dma_start3A_61] : memref<10000x64xf32, #tpu.memory_space<vmem_shared>> -> memref<125x64xf32, #tpu.memory_space<vmem_shared>>
      %dma_start3A_63 = arith.constant 0 : i32
      %dma_start3A_64 = tpu.memref_slice %arg12[%add3A_8, %dma_start3A_63] : memref<10000x64xf32, #tpu.memory_space<vmem_shared>> -> memref<125x64xf32, #tpu.memory_space<vmem_shared>>
      tpu.enqueue_dma source(%arg11 : memref<125x64xf32, #tpu.memory_space<vmem>>) target(%dma_start3A_64 : memref<125x64xf32, #tpu.memory_space<vmem_shared>>) target_semaphore(%run_scoped3A_60 : memref<!tpu.dma_semaphore, #tpu.memory_space<semaphore_mem>>)
      %dma_wait3A = arith.constant 0 : i32
      %dma_wait3A_65 = tpu.memref_slice %arg12[%add3A_8, %dma_wait3A] : memref<10000x64xf32, #tpu.memory_space<vmem_shared>> -> memref<125x64xf32, #tpu.memory_space<vmem_shared>>
      %dma_wait3A_66 = arith.constant 0 : i32
      %dma_wait3A_67 = tpu.memref_slice %arg12[%add3A_8, %dma_wait3A_66] : memref<10000x64xf32, #tpu.memory_space<vmem_shared>> -> memref<125x64xf32, #tpu.memory_space<vmem_shared>>
      tpu.wait_dma2 semaphore(%run_scoped3A_60 : memref<!tpu.dma_semaphore, #tpu.memory_space<semaphore_mem>>) src(%arg11 : memref<125x64xf32, #tpu.memory_space<vmem>>) dst(%dma_wait3A_67 : memref<125x64xf32, #tpu.memory_space<vmem_shared>>)
      tpu.yield
    }) : () -> ()
    %add3A_9 = arith.constant 125 : i32
    %add3A_10 = arith.addi %mul3A_7, %add3A_9 : i32
    "tpu.region"() ({
      %run_scoped3A_60 = tpu.sem_alloc : memref<!tpu.dma_semaphore, #tpu.memory_space<semaphore_mem>>
      %dma_start3A_61 = arith.constant 0 : i32
      %dma_start3A_62 = tpu.memref_slice %arg12[%add3A_10, %dma_start3A_61] : memref<10000x64xf32, #tpu.memory_space<vmem_shared>> -> memref<125x64xf32, #tpu.memory_space<vmem_shared>>
      %dma_start3A_63 = arith.constant 0 : i32
      %dma_start3A_64 = tpu.memref_slice %arg12[%add3A_10, %dma_start3A_63] : memref<10000x64xf32, #tpu.memory_space<vmem_shared>> -> memref<125x64xf32, #tpu.memory_space<vmem_shared>>
      tpu.enqueue_dma source(%arg11 : memref<125x64xf32, #tpu.memory_space<vmem>>) target(%dma_start3A_64 : memref<125x64xf32, #tpu.memory_space<vmem_shared>>) target_semaphore(%run_scoped3A_60 : memref<!tpu.dma_semaphore, #tpu.memory_space<semaphore_mem>>)
      %dma_wait3A = arith.constant 0 : i32
      %dma_wait3A_65 = tpu.memref_slice %arg12[%add3A_10, %dma_wait3A] : memref<10000x64xf32, #tpu.memory_space<vmem_shared>> -> memref<125x64xf32, #tpu.memory_space<vmem_shared>>
      %dma_wait3A_66 = arith.constant 0 : i32
      %dma_wait3A_67 = tpu.memref_slice %arg12[%add3A_10, %dma_wait3A_66] : memref<10000x64xf32, #tpu.memory_space<vmem_shared>> -> memref<125x64xf32, #tpu.memory_space<vmem_shared>>
      tpu.wait_dma2 semaphore(%run_scoped3A_60 : memref<!tpu.dma_semaphore, #tpu.memory_space<semaphore_mem>>) src(%arg11 : memref<125x64xf32, #tpu.memory_space<vmem>>) dst(%dma_wait3A_67 : memref<125x64xf32, #tpu.memory_space<vmem_shared>>)
      tpu.yield
    }) : () -> ()
    %add3A_11 = arith.constant 250 : i32
    %add3A_12 = arith.addi %mul3A_7, %add3A_11 : i32
    "tpu.region"() ({
      %run_scoped3A_60 = tpu.sem_alloc : memref<!tpu.dma_semaphore, #tpu.memory_space<semaphore_mem>>
      %dma_start3A_61 = arith.constant 0 : i32
      %dma_start3A_62 = tpu.memref_slice %arg12[%add3A_12, %dma_start3A_61] : memref<10000x64xf32, #tpu.memory_space<vmem_shared>> -> memref<125x64xf32, #tpu.memory_space<vmem_shared>>
      %dma_start3A_63 = arith.constant 0 : i32
      %dma_start3A_64 = tpu.memref_slice %arg12[%add3A_12, %dma_start3A_63] : memref<10000x64xf32, #tpu.memory_space<vmem_shared>> -> memref<125x64xf32, #tpu.memory_space<vmem_shared>>
      tpu.enqueue_dma source(%arg11 : memref<125x64xf32, #tpu.memory_space<vmem>>) target(%dma_start3A_64 : memref<125x64xf32, #tpu.memory_space<vmem_shared>>) target_semaphore(%run_scoped3A_60 : memref<!tpu.dma_semaphore, #tpu.memory_space<semaphore_mem>>)
      %dma_wait3A = arith.constant 0 : i32
      %dma_wait3A_65 = tpu.memref_slice %arg12[%add3A_12, %dma_wait3A] : memref<10000x64xf32, #tpu.memory_space<vmem_shared>> -> memref<125x64xf32, #tpu.memory_space<vmem_shared>>
      %dma_wait3A_66 = arith.constant 0 : i32
      %dma_wait3A_67 = tpu.memref_slice %arg12[%add3A_12, %dma_wait3A_66] : memref<10000x64xf32, #tpu.memory_space<vmem_shared>> -> memref<125x64xf32, #tpu.memory_space<vmem_shared>>
      tpu.wait_dma2 semaphore(%run_scoped3A_60 : memref<!tpu.dma_semaphore, #tpu.memory_space<semaphore_mem>>) src(%arg11 : memref<125x64xf32, #tpu.memory_space<vmem>>) dst(%dma_wait3A_67 : memref<125x64xf32, #tpu.memory_space<vmem_shared>>)
      tpu.yield
    }) : () -> ()
    %add3A_13 = arith.constant 375 : i32
    %add3A_14 = arith.addi %mul3A_7, %add3A_13 : i32
    "tpu.region"() ({
      %run_scoped3A_60 = tpu.sem_alloc : memref<!tpu.dma_semaphore, #tpu.memory_space<semaphore_mem>>
      %dma_start3A_61 = arith.constant 0 : i32
      %dma_start3A_62 = tpu.memref_slice %arg12[%add3A_14, %dma_start3A_61] : memref<10000x64xf32, #tpu.memory_space<vmem_shared>> -> memref<125x64xf32, #tpu.memory_space<vmem_shared>>
      %dma_start3A_63 = arith.constant 0 : i32
      %dma_start3A_64 = tpu.memref_slice %arg12[%add3A_14, %dma_start3A_63] : memref<10000x64xf32, #tpu.memory_space<vmem_shared>> -> memref<125x64xf32, #tpu.memory_space<vmem_shared>>
      tpu.enqueue_dma source(%arg11 : memref<125x64xf32, #tpu.memory_space<vmem>>) target(%dma_start3A_64 : memref<125x64xf32, #tpu.memory_space<vmem_shared>>) target_semaphore(%run_scoped3A_60 : memref<!tpu.dma_semaphore, #tpu.memory_space<semaphore_mem>>)
      %dma_wait3A = arith.constant 0 : i32
      %dma_wait3A_65 = tpu.memref_slice %arg12[%add3A_14, %dma_wait3A] : memref<10000x64xf32, #tpu.memory_space<vmem_shared>> -> memref<125x64xf32, #tpu.memory_space<vmem_shared>>
      %dma_wait3A_66 = arith.constant 0 : i32
      %dma_wait3A_67 = tpu.memref_slice %arg12[%add3A_14, %dma_wait3A_66] : memref<10000x64xf32, #tpu.memory_space<vmem_shared>> -> memref<125x64xf32, #tpu.memory_space<vmem_shared>>
      tpu.wait_dma2 semaphore(%run_scoped3A_60 : memref<!tpu.dma_semaphore, #tpu.memory_space<semaphore_mem>>) src(%arg11 : memref<125x64xf32, #tpu.memory_space<vmem>>) dst(%dma_wait3A_67 : memref<125x64xf32, #tpu.memory_space<vmem_shared>>)
      tpu.yield
    }) : () -> ()
    %add3A_15 = arith.constant 500 : i32
    %add3A_16 = arith.addi %mul3A_7, %add3A_15 : i32
    "tpu.region"() ({
      %run_scoped3A_60 = tpu.sem_alloc : memref<!tpu.dma_semaphore, #tpu.memory_space<semaphore_mem>>
      %dma_start3A_61 = arith.constant 0 : i32
      %dma_start3A_62 = tpu.memref_slice %arg12[%add3A_16, %dma_start3A_61] : memref<10000x64xf32, #tpu.memory_space<vmem_shared>> -> memref<125x64xf32, #tpu.memory_space<vmem_shared>>
      %dma_start3A_63 = arith.constant 0 : i32
      %dma_start3A_64 = tpu.memref_slice %arg12[%add3A_16, %dma_start3A_63] : memref<10000x64xf32, #tpu.memory_space<vmem_shared>> -> memref<125x64xf32, #tpu.memory_space<vmem_shared>>
      tpu.enqueue_dma source(%arg11 : memref<125x64xf32, #tpu.memory_space<vmem>>) target(%dma_start3A_64 : memref<125x64xf32, #tpu.memory_space<vmem_shared>>) target_semaphore(%run_scoped3A_60 : memref<!tpu.dma_semaphore, #tpu.memory_space<semaphore_mem>>)
      %dma_wait3A = arith.constant 0 : i32
      %dma_wait3A_65 = tpu.memref_slice %arg12[%add3A_16, %dma_wait3A] : memref<10000x64xf32, #tpu.memory_space<vmem_shared>> -> memref<125x64xf32, #tpu.memory_space<vmem_shared>>
      %dma_wait3A_66 = arith.constant 0 : i32
      %dma_wait3A_67 = tpu.memref_slice %arg12[%add3A_16, %dma_wait3A_66] : memref<10000x64xf32, #tpu.memory_space<vmem_shared>> -> memref<125x64xf32, #tpu.memory_space<vmem_shared>>
      tpu.wait_dma2 semaphore(%run_scoped3A_60 : memref<!tpu.dma_semaphore, #tpu.memory_space<semaphore_mem>>) src(%arg11 : memref<125x64xf32, #tpu.memory_space<vmem>>) dst(%dma_wait3A_67 : memref<125x64xf32, #tpu.memory_space<vmem_shared>>)
      tpu.yield
    }) : () -> ()
    %mul3A_17 = arith.constant 160 : i32
    %mul3A_18 = arith.muli %arg1, %mul3A_17 : i32
    "tpu.region"() ({
      %run_scoped3A_60 = tpu.sem_alloc : memref<!tpu.dma_semaphore, #tpu.memory_space<semaphore_mem>>
      %dma_start3A_61 = arith.constant 0 : i32
      %dma_start3A_62 = tpu.memref_slice %arg2[%arg0, %mul3A_18, %dma_start3A_61] : memref<3x2560x125xi32, #tpu.memory_space<hbm>> -> memref<1x160x125xi32, #tpu.memory_space<hbm>>
      %dma_start3A_63 = tpu.memref_squeeze %dma_start3A_62 : memref<1x160x125xi32, #tpu.memory_space<hbm>> -> memref<160x125xi32, #tpu.memory_space<hbm>>
      %dma_start3A_64 = arith.constant 0 : i32
      %dma_start3A_65 = tpu.memref_slice %arg2[%arg0, %mul3A_18, %dma_start3A_64] : memref<3x2560x125xi32, #tpu.memory_space<hbm>> -> memref<1x160x125xi32, #tpu.memory_space<hbm>>
      %dma_start3A_66 = tpu.memref_squeeze %dma_start3A_65 : memref<1x160x125xi32, #tpu.memory_space<hbm>> -> memref<160x125xi32, #tpu.memory_space<hbm>>
      tpu.enqueue_dma source(%dma_start3A_66 : memref<160x125xi32, #tpu.memory_space<hbm>>) target(%arg5 : memref<160x125xi32, #tpu.memory_space<vmem>>) target_semaphore(%run_scoped3A_60 : memref<!tpu.dma_semaphore, #tpu.memory_space<semaphore_mem>>)
      %dma_wait3A = arith.constant 0 : i32
      %dma_wait3A_67 = tpu.memref_slice %arg2[%arg0, %mul3A_18, %dma_wait3A] : memref<3x2560x125xi32, #tpu.memory_space<hbm>> -> memref<1x160x125xi32, #tpu.memory_space<hbm>>
      %dma_wait3A_68 = tpu.memref_squeeze %dma_wait3A_67 : memref<1x160x125xi32, #tpu.memory_space<hbm>> -> memref<160x125xi32, #tpu.memory_space<hbm>>
      %dma_wait3A_69 = arith.constant 0 : i32
      %dma_wait3A_70 = tpu.memref_slice %arg2[%arg0, %mul3A_18, %dma_wait3A_69] : memref<3x2560x125xi32, #tpu.memory_space<hbm>> -> memref<1x160x125xi32, #tpu.memory_space<hbm>>
      %dma_wait3A_71 = tpu.memref_squeeze %dma_wait3A_70 : memref<1x160x125xi32, #tpu.memory_space<hbm>> -> memref<160x125xi32, #tpu.memory_space<hbm>>
      tpu.wait_dma2 semaphore(%run_scoped3A_60 : memref<!tpu.dma_semaphore, #tpu.memory_space<semaphore_mem>>) src(%dma_wait3A_71 : memref<160x125xi32, #tpu.memory_space<hbm>>) dst(%arg5 : memref<160x125xi32, #tpu.memory_space<vmem>>)
      tpu.yield
    }) : () -> ()
    %run_scoped3A = arith.constant 2 : i32
    "tpu.region"() ({
      %run_scoped3A_60 = tpu.sem_alloc : memref<!tpu.dma_semaphore, #tpu.memory_space<semaphore_mem>>
      %dma_start3A_61 = arith.constant 0 : i32
      %dma_start3A_62 = tpu.memref_slice %arg2[%run_scoped3A, %mul3A_18, %dma_start3A_61] : memref<3x2560x125xi32, #tpu.memory_space<hbm>> -> memref<1x160x125xi32, #tpu.memory_space<hbm>>
      %dma_start3A_63 = tpu.memref_squeeze %dma_start3A_62 : memref<1x160x125xi32, #tpu.memory_space<hbm>> -> memref<160x125xi32, #tpu.memory_space<hbm>>
      %dma_start3A_64 = arith.constant 0 : i32
      %dma_start3A_65 = tpu.memref_slice %arg2[%run_scoped3A, %mul3A_18, %dma_start3A_64] : memref<3x2560x125xi32, #tpu.memory_space<hbm>> -> memref<1x160x125xi32, #tpu.memory_space<hbm>>
      %dma_start3A_66 = tpu.memref_squeeze %dma_start3A_65 : memref<1x160x125xi32, #tpu.memory_space<hbm>> -> memref<160x125xi32, #tpu.memory_space<hbm>>
      tpu.enqueue_dma source(%dma_start3A_66 : memref<160x125xi32, #tpu.memory_space<hbm>>) target(%arg6 : memref<160x125xi32, #tpu.memory_space<vmem>>) target_semaphore(%run_scoped3A_60 : memref<!tpu.dma_semaphore, #tpu.memory_space<semaphore_mem>>)
      %dma_wait3A = arith.constant 0 : i32
      %dma_wait3A_67 = tpu.memref_slice %arg2[%run_scoped3A, %mul3A_18, %dma_wait3A] : memref<3x2560x125xi32, #tpu.memory_space<hbm>> -> memref<1x160x125xi32, #tpu.memory_space<hbm>>
      %dma_wait3A_68 = tpu.memref_squeeze %dma_wait3A_67 : memref<1x160x125xi32, #tpu.memory_space<hbm>> -> memref<160x125xi32, #tpu.memory_space<hbm>>
      %dma_wait3A_69 = arith.constant 0 : i32
      %dma_wait3A_70 = tpu.memref_slice %arg2[%run_scoped3A, %mul3A_18, %dma_wait3A_69] : memref<3x2560x125xi32, #tpu.memory_space<hbm>> -> memref<1x160x125xi32, #tpu.memory_space<hbm>>
      %dma_wait3A_71 = tpu.memref_squeeze %dma_wait3A_70 : memref<1x160x125xi32, #tpu.memory_space<hbm>> -> memref<160x125xi32, #tpu.memory_space<hbm>>
      tpu.wait_dma2 semaphore(%run_scoped3A_60 : memref<!tpu.dma_semaphore, #tpu.memory_space<semaphore_mem>>) src(%dma_wait3A_71 : memref<160x125xi32, #tpu.memory_space<hbm>>) dst(%arg6 : memref<160x125xi32, #tpu.memory_space<vmem>>)
      tpu.yield
    }) : () -> ()
    %dma_start3A = arith.constant 0 : i32
    %dma_start3A_19 = arith.constant 0 : i32
    %dma_start3A_20 = tpu.memref_slice %arg5[%dma_start3A, %dma_start3A_19] : memref<160x125xi32, #tpu.memory_space<vmem>> -> memref<1x125xi32, #tpu.memory_space<vmem>>
    %dma_start3A_21 = tpu.memref_squeeze %dma_start3A_20 : memref<1x125xi32, #tpu.memory_space<vmem>> -> memref<125xi32, #tpu.memory_space<vmem>>
    %dma_start3A_22 = arith.constant 0 : i32
    %dma_start3A_23 = arith.constant 0 : i32
    %dma_start3A_24 = tpu.memref_slice %arg3[%dma_start3A_22, %dma_start3A_23] : memref<20000x64xf32, #tpu.memory_space<hbm>> -> memref<20000x64xf32, #tpu.memory_space<hbm>>
    tpu.enqueue_indirect_dma source(%dma_start3A_24 : memref<20000x64xf32, #tpu.memory_space<hbm>>) target(%arg7 : memref<125x64xf32, #tpu.memory_space<vmem>>) offsets(%dma_start3A_21 : memref<125xi32, #tpu.memory_space<vmem>>) semaphore(%arg13 : memref<!tpu.dma_semaphore, #tpu.memory_space<semaphore_mem>>)
    %dma_start3A_25 = arith.constant 1 : i32
    %dma_start3A_26 = arith.constant 0 : i32
    %dma_start3A_27 = tpu.memref_slice %arg5[%dma_start3A_25, %dma_start3A_26] : memref<160x125xi32, #tpu.memory_space<vmem>> -> memref<1x125xi32, #tpu.memory_space<vmem>>
    %dma_start3A_28 = tpu.memref_squeeze %dma_start3A_27 : memref<1x125xi32, #tpu.memory_space<vmem>> -> memref<125xi32, #tpu.memory_space<vmem>>
    %dma_start3A_29 = arith.constant 0 : i32
    %dma_start3A_30 = arith.constant 0 : i32
    %dma_start3A_31 = tpu.memref_slice %arg3[%dma_start3A_29, %dma_start3A_30] : memref<20000x64xf32, #tpu.memory_space<hbm>> -> memref<20000x64xf32, #tpu.memory_space<hbm>>
    tpu.enqueue_indirect_dma source(%dma_start3A_31 : memref<20000x64xf32, #tpu.memory_space<hbm>>) target(%arg8 : memref<125x64xf32, #tpu.memory_space<vmem>>) offsets(%dma_start3A_28 : memref<125xi32, #tpu.memory_space<vmem>>) semaphore(%arg13 : memref<!tpu.dma_semaphore, #tpu.memory_space<semaphore_mem>>)
    %dma_start3A_32 = arith.constant 2 : i32
    %dma_start3A_33 = arith.constant 0 : i32
    %dma_start3A_34 = tpu.memref_slice %arg5[%dma_start3A_32, %dma_start3A_33] : memref<160x125xi32, #tpu.memory_space<vmem>> -> memref<1x125xi32, #tpu.memory_space<vmem>>
    %dma_start3A_35 = tpu.memref_squeeze %dma_start3A_34 : memref<1x125xi32, #tpu.memory_space<vmem>> -> memref<125xi32, #tpu.memory_space<vmem>>
    %dma_start3A_36 = arith.constant 0 : i32
    %dma_start3A_37 = arith.constant 0 : i32
    %dma_start3A_38 = tpu.memref_slice %arg3[%dma_start3A_36, %dma_start3A_37] : memref<20000x64xf32, #tpu.memory_space<hbm>> -> memref<20000x64xf32, #tpu.memory_space<hbm>>
    tpu.enqueue_indirect_dma source(%dma_start3A_38 : memref<20000x64xf32, #tpu.memory_space<hbm>>) target(%arg9 : memref<125x64xf32, #tpu.memory_space<vmem>>) offsets(%dma_start3A_35 : memref<125xi32, #tpu.memory_space<vmem>>) semaphore(%arg13 : memref<!tpu.dma_semaphore, #tpu.memory_space<semaphore_mem>>)
    %dma_start3A_39 = arith.constant 3 : i32
    %dma_start3A_40 = arith.constant 0 : i32
    %dma_start3A_41 = tpu.memref_slice %arg5[%dma_start3A_39, %dma_start3A_40] : memref<160x125xi32, #tpu.memory_space<vmem>> -> memref<1x125xi32, #tpu.memory_space<vmem>>
    %dma_start3A_42 = tpu.memref_squeeze %dma_start3A_41 : memref<1x125xi32, #tpu.memory_space<vmem>> -> memref<125xi32, #tpu.memory_space<vmem>>
    %dma_start3A_43 = arith.constant 0 : i32
    %dma_start3A_44 = arith.constant 0 : i32
    %dma_start3A_45 = tpu.memref_slice %arg3[%dma_start3A_43, %dma_start3A_44] : memref<20000x64xf32, #tpu.memory_space<hbm>> -> memref<20000x64xf32, #tpu.memory_space<hbm>>
    tpu.enqueue_indirect_dma source(%dma_start3A_45 : memref<20000x64xf32, #tpu.memory_space<hbm>>) target(%arg10 : memref<125x64xf32, #tpu.memory_space<vmem>>) offsets(%dma_start3A_42 : memref<125xi32, #tpu.memory_space<vmem>>) semaphore(%arg13 : memref<!tpu.dma_semaphore, #tpu.memory_space<semaphore_mem>>)
    %barrier3A = arith.constant 0 : index
    tpu.barrier barrier_id(%barrier3A)
    %mul3A_46 = arith.constant 80 : i32
    %mul3A_47 = arith.muli %arg0, %mul3A_46 : i32
    %add3A_48 = arith.constant 80 : i32
    %add3A_49 = arith.addi %mul3A_47, %add3A_48 : i32
    %scan3A_50 = arith.constant 0 : i32
    %scan3A_51 = arith.constant 40 : i32
    %scan3A_52 = arith.addi %scan3A_50, %scan3A_51 : i32
    %scan3A_53 = arith.constant 1 : i32
    scf.for %scan3A_60 = %scan3A_50 to %scan3A_52 step %scan3A_53  : i32 {
      %mul3A_61 = arith.constant 4 : i32
      %mul3A_62 = arith.muli %scan3A_60, %mul3A_61 : i32
      %add3A_63 = arith.constant 0 : i32
      %add3A_64 = arith.addi %add3A_63, %mul3A_62 : i32
      %add3A_65 = arith.constant 0 : i32
      %add3A_66 = arith.addi %add3A_64, %add3A_65 : i32
      %dma_wait3A = arith.constant 0 : i32
      %dma_wait3A_67 = tpu.memref_slice %arg5[%add3A_66, %dma_wait3A] : memref<160x125xi32, #tpu.memory_space<vmem>> -> memref<1x125xi32, #tpu.memory_space<vmem>>
      %dma_wait3A_68 = tpu.memref_squeeze %dma_wait3A_67 : memref<1x125xi32, #tpu.memory_space<vmem>> -> memref<125xi32, #tpu.memory_space<vmem>>
      %dma_wait3A_69 = arith.constant 0 : i32
      %dma_wait3A_70 = arith.constant 0 : i32
      %dma_wait3A_71 = tpu.memref_slice %arg3[%dma_wait3A_69, %dma_wait3A_70] : memref<20000x64xf32, #tpu.memory_space<hbm>> -> memref<20000x64xf32, #tpu.memory_space<hbm>>
      tpu.wait_indirect_dma semaphore(%arg13 : memref<!tpu.dma_semaphore, #tpu.memory_space<semaphore_mem>>) src(%dma_wait3A_71 : memref<20000x64xf32, #tpu.memory_space<hbm>>) dst(%arg7 : memref<125x64xf32, #tpu.memory_space<vmem>>)
      %dma_start3A_72 = arith.constant 0 : i32
      %dma_start3A_73 = tpu.memref_slice %arg6[%add3A_66, %dma_start3A_72] : memref<160x125xi32, #tpu.memory_space<vmem>> -> memref<1x125xi32, #tpu.memory_space<vmem>>
      %dma_start3A_74 = tpu.memref_squeeze %dma_start3A_73 : memref<1x125xi32, #tpu.memory_space<vmem>> -> memref<125xi32, #tpu.memory_space<vmem>>
      %dma_start3A_75 = arith.constant 0 : i32
      %dma_start3A_76 = arith.constant 0 : i32
      %dma_start3A_77 = tpu.memref_slice %arg12[%dma_start3A_75, %dma_start3A_76] : memref<10000x64xf32, #tpu.memory_space<vmem_shared>> -> memref<10000x64xf32, #tpu.memory_space<vmem_shared>>
      tpu.enqueue_indirect_dma source(%arg7 : memref<125x64xf32, #tpu.memory_space<vmem>>) target(%dma_start3A_77 : memref<10000x64xf32, #tpu.memory_space<vmem_shared>>) offsets(%dma_start3A_74 : memref<125xi32, #tpu.memory_space<vmem>>) semaphore(%arg14 : memref<!tpu.dma_semaphore, #tpu.memory_space<semaphore_mem>>) {add = true}
      %dma_wait3A_78 = arith.constant 0 : i32
      %dma_wait3A_79 = tpu.memref_slice %arg6[%add3A_66, %dma_wait3A_78] : memref<160x125xi32, #tpu.memory_space<vmem>> -> memref<1x125xi32, #tpu.memory_space<vmem>>
      %dma_wait3A_80 = tpu.memref_squeeze %dma_wait3A_79 : memref<1x125xi32, #tpu.memory_space<vmem>> -> memref<125xi32, #tpu.memory_space<vmem>>
      %dma_wait3A_81 = arith.constant 0 : i32
      %dma_wait3A_82 = arith.constant 0 : i32
      %dma_wait3A_83 = tpu.memref_slice %arg12[%dma_wait3A_81, %dma_wait3A_82] : memref<10000x64xf32, #tpu.memory_space<vmem_shared>> -> memref<10000x64xf32, #tpu.memory_space<vmem_shared>>
      tpu.wait_indirect_dma semaphore(%arg14 : memref<!tpu.dma_semaphore, #tpu.memory_space<semaphore_mem>>) src(%arg7 : memref<125x64xf32, #tpu.memory_space<vmem>>) dst(%dma_wait3A_83 : memref<10000x64xf32, #tpu.memory_space<vmem_shared>>)
      %add3A_84 = arith.constant 4 : i32
      %add3A_85 = arith.addi %add3A_66, %add3A_84 : i32
      %lt3A = arith.constant 160 : i32
      %lt3A_86 = arith.cmpi slt, %add3A_85, %lt3A : i32
      %convert_element_type3A_87 = arith.extui %lt3A_86 : i1 to i32
      %cond3A_88 = arith.constant 0 : i32
      %cond3A_89 = arith.cmpi ne, %convert_element_type3A_87, %cond3A_88 : i32
      scf.if %cond3A_89 {
        %add3A_171 = arith.constant 4 : i32
        %add3A_172 = arith.addi %add3A_66, %add3A_171 : i32
        %dma_start3A_173 = arith.constant 0 : i32
        %dma_start3A_174 = tpu.memref_slice %arg5[%add3A_172, %dma_start3A_173] : memref<160x125xi32, #tpu.memory_space<vmem>> -> memref<1x125xi32, #tpu.memory_space<vmem>>
        %dma_start3A_175 = tpu.memref_squeeze %dma_start3A_174 : memref<1x125xi32, #tpu.memory_space<vmem>> -> memref<125xi32, #tpu.memory_space<vmem>>
        %dma_start3A_176 = arith.constant 0 : i32
        %dma_start3A_177 = arith.constant 0 : i32
        %dma_start3A_178 = tpu.memref_slice %arg3[%dma_start3A_176, %dma_start3A_177] : memref<20000x64xf32, #tpu.memory_space<hbm>> -> memref<20000x64xf32, #tpu.memory_space<hbm>>
        tpu.enqueue_indirect_dma source(%dma_start3A_178 : memref<20000x64xf32, #tpu.memory_space<hbm>>) target(%arg7 : memref<125x64xf32, #tpu.memory_space<vmem>>) offsets(%dma_start3A_175 : memref<125xi32, #tpu.memory_space<vmem>>) semaphore(%arg13 : memref<!tpu.dma_semaphore, #tpu.memory_space<semaphore_mem>>)
      } else {
      }
      %add3A_90 = arith.constant 1 : i32
      %add3A_91 = arith.addi %add3A_64, %add3A_90 : i32
      %dma_wait3A_92 = arith.constant 0 : i32
      %dma_wait3A_93 = tpu.memref_slice %arg5[%add3A_91, %dma_wait3A_92] : memref<160x125xi32, #tpu.memory_space<vmem>> -> memref<1x125xi32, #tpu.memory_space<vmem>>
      %dma_wait3A_94 = tpu.memref_squeeze %dma_wait3A_93 : memref<1x125xi32, #tpu.memory_space<vmem>> -> memref<125xi32, #tpu.memory_space<vmem>>
      %dma_wait3A_95 = arith.constant 0 : i32
      %dma_wait3A_96 = arith.constant 0 : i32
      %dma_wait3A_97 = tpu.memref_slice %arg3[%dma_wait3A_95, %dma_wait3A_96] : memref<20000x64xf32, #tpu.memory_space<hbm>> -> memref<20000x64xf32, #tpu.memory_space<hbm>>
      tpu.wait_indirect_dma semaphore(%arg13 : memref<!tpu.dma_semaphore, #tpu.memory_space<semaphore_mem>>) src(%dma_wait3A_97 : memref<20000x64xf32, #tpu.memory_space<hbm>>) dst(%arg8 : memref<125x64xf32, #tpu.memory_space<vmem>>)
      %dma_start3A_98 = arith.constant 0 : i32
      %dma_start3A_99 = tpu.memref_slice %arg6[%add3A_91, %dma_start3A_98] : memref<160x125xi32, #tpu.memory_space<vmem>> -> memref<1x125xi32, #tpu.memory_space<vmem>>
      %dma_start3A_100 = tpu.memref_squeeze %dma_start3A_99 : memref<1x125xi32, #tpu.memory_space<vmem>> -> memref<125xi32, #tpu.memory_space<vmem>>
      %dma_start3A_101 = arith.constant 0 : i32
      %dma_start3A_102 = arith.constant 0 : i32
      %dma_start3A_103 = tpu.memref_slice %arg12[%dma_start3A_101, %dma_start3A_102] : memref<10000x64xf32, #tpu.memory_space<vmem_shared>> -> memref<10000x64xf32, #tpu.memory_space<vmem_shared>>
      tpu.enqueue_indirect_dma source(%arg8 : memref<125x64xf32, #tpu.memory_space<vmem>>) target(%dma_start3A_103 : memref<10000x64xf32, #tpu.memory_space<vmem_shared>>) offsets(%dma_start3A_100 : memref<125xi32, #tpu.memory_space<vmem>>) semaphore(%arg14 : memref<!tpu.dma_semaphore, #tpu.memory_space<semaphore_mem>>) {add = true}
      %dma_wait3A_104 = arith.constant 0 : i32
      %dma_wait3A_105 = tpu.memref_slice %arg6[%add3A_91, %dma_wait3A_104] : memref<160x125xi32, #tpu.memory_space<vmem>> -> memref<1x125xi32, #tpu.memory_space<vmem>>
      %dma_wait3A_106 = tpu.memref_squeeze %dma_wait3A_105 : memref<1x125xi32, #tpu.memory_space<vmem>> -> memref<125xi32, #tpu.memory_space<vmem>>
      %dma_wait3A_107 = arith.constant 0 : i32
      %dma_wait3A_108 = arith.constant 0 : i32
      %dma_wait3A_109 = tpu.memref_slice %arg12[%dma_wait3A_107, %dma_wait3A_108] : memref<10000x64xf32, #tpu.memory_space<vmem_shared>> -> memref<10000x64xf32, #tpu.memory_space<vmem_shared>>
      tpu.wait_indirect_dma semaphore(%arg14 : memref<!tpu.dma_semaphore, #tpu.memory_space<semaphore_mem>>) src(%arg8 : memref<125x64xf32, #tpu.memory_space<vmem>>) dst(%dma_wait3A_109 : memref<10000x64xf32, #tpu.memory_space<vmem_shared>>)
      %add3A_110 = arith.constant 4 : i32
      %add3A_111 = arith.addi %add3A_91, %add3A_110 : i32
      %lt3A_112 = arith.constant 160 : i32
      %lt3A_113 = arith.cmpi slt, %add3A_111, %lt3A_112 : i32
      %convert_element_type3A_114 = arith.extui %lt3A_113 : i1 to i32
      %cond3A_115 = arith.constant 0 : i32
      %cond3A_116 = arith.cmpi ne, %convert_element_type3A_114, %cond3A_115 : i32
      scf.if %cond3A_116 {
        %add3A_171 = arith.constant 4 : i32
        %add3A_172 = arith.addi %add3A_91, %add3A_171 : i32
        %dma_start3A_173 = arith.constant 0 : i32
        %dma_start3A_174 = tpu.memref_slice %arg5[%add3A_172, %dma_start3A_173] : memref<160x125xi32, #tpu.memory_space<vmem>> -> memref<1x125xi32, #tpu.memory_space<vmem>>
        %dma_start3A_175 = tpu.memref_squeeze %dma_start3A_174 : memref<1x125xi32, #tpu.memory_space<vmem>> -> memref<125xi32, #tpu.memory_space<vmem>>
        %dma_start3A_176 = arith.constant 0 : i32
        %dma_start3A_177 = arith.constant 0 : i32
        %dma_start3A_178 = tpu.memref_slice %arg3[%dma_start3A_176, %dma_start3A_177] : memref<20000x64xf32, #tpu.memory_space<hbm>> -> memref<20000x64xf32, #tpu.memory_space<hbm>>
        tpu.enqueue_indirect_dma source(%dma_start3A_178 : memref<20000x64xf32, #tpu.memory_space<hbm>>) target(%arg8 : memref<125x64xf32, #tpu.memory_space<vmem>>) offsets(%dma_start3A_175 : memref<125xi32, #tpu.memory_space<vmem>>) semaphore(%arg13 : memref<!tpu.dma_semaphore, #tpu.memory_space<semaphore_mem>>)
      } else {
      }
      %add3A_117 = arith.constant 2 : i32
      %add3A_118 = arith.addi %add3A_64, %add3A_117 : i32
      %dma_wait3A_119 = arith.constant 0 : i32
      %dma_wait3A_120 = tpu.memref_slice %arg5[%add3A_118, %dma_wait3A_119] : memref<160x125xi32, #tpu.memory_space<vmem>> -> memref<1x125xi32, #tpu.memory_space<vmem>>
      %dma_wait3A_121 = tpu.memref_squeeze %dma_wait3A_120 : memref<1x125xi32, #tpu.memory_space<vmem>> -> memref<125xi32, #tpu.memory_space<vmem>>
      %dma_wait3A_122 = arith.constant 0 : i32
      %dma_wait3A_123 = arith.constant 0 : i32
      %dma_wait3A_124 = tpu.memref_slice %arg3[%dma_wait3A_122, %dma_wait3A_123] : memref<20000x64xf32, #tpu.memory_space<hbm>> -> memref<20000x64xf32, #tpu.memory_space<hbm>>
      tpu.wait_indirect_dma semaphore(%arg13 : memref<!tpu.dma_semaphore, #tpu.memory_space<semaphore_mem>>) src(%dma_wait3A_124 : memref<20000x64xf32, #tpu.memory_space<hbm>>) dst(%arg9 : memref<125x64xf32, #tpu.memory_space<vmem>>)
      %dma_start3A_125 = arith.constant 0 : i32
      %dma_start3A_126 = tpu.memref_slice %arg6[%add3A_118, %dma_start3A_125] : memref<160x125xi32, #tpu.memory_space<vmem>> -> memref<1x125xi32, #tpu.memory_space<vmem>>
      %dma_start3A_127 = tpu.memref_squeeze %dma_start3A_126 : memref<1x125xi32, #tpu.memory_space<vmem>> -> memref<125xi32, #tpu.memory_space<vmem>>
      %dma_start3A_128 = arith.constant 0 : i32
      %dma_start3A_129 = arith.constant 0 : i32
      %dma_start3A_130 = tpu.memref_slice %arg12[%dma_start3A_128, %dma_start3A_129] : memref<10000x64xf32, #tpu.memory_space<vmem_shared>> -> memref<10000x64xf32, #tpu.memory_space<vmem_shared>>
      tpu.enqueue_indirect_dma source(%arg9 : memref<125x64xf32, #tpu.memory_space<vmem>>) target(%dma_start3A_130 : memref<10000x64xf32, #tpu.memory_space<vmem_shared>>) offsets(%dma_start3A_127 : memref<125xi32, #tpu.memory_space<vmem>>) semaphore(%arg14 : memref<!tpu.dma_semaphore, #tpu.memory_space<semaphore_mem>>) {add = true}
      %dma_wait3A_131 = arith.constant 0 : i32
      %dma_wait3A_132 = tpu.memref_slice %arg6[%add3A_118, %dma_wait3A_131] : memref<160x125xi32, #tpu.memory_space<vmem>> -> memref<1x125xi32, #tpu.memory_space<vmem>>
      %dma_wait3A_133 = tpu.memref_squeeze %dma_wait3A_132 : memref<1x125xi32, #tpu.memory_space<vmem>> -> memref<125xi32, #tpu.memory_space<vmem>>
      %dma_wait3A_134 = arith.constant 0 : i32
      %dma_wait3A_135 = arith.constant 0 : i32
      %dma_wait3A_136 = tpu.memref_slice %arg12[%dma_wait3A_134, %dma_wait3A_135] : memref<10000x64xf32, #tpu.memory_space<vmem_shared>> -> memref<10000x64xf32, #tpu.memory_space<vmem_shared>>
      tpu.wait_indirect_dma semaphore(%arg14 : memref<!tpu.dma_semaphore, #tpu.memory_space<semaphore_mem>>) src(%arg9 : memref<125x64xf32, #tpu.memory_space<vmem>>) dst(%dma_wait3A_136 : memref<10000x64xf32, #tpu.memory_space<vmem_shared>>)
      %add3A_137 = arith.constant 4 : i32
      %add3A_138 = arith.addi %add3A_118, %add3A_137 : i32
      %lt3A_139 = arith.constant 160 : i32
      %lt3A_140 = arith.cmpi slt, %add3A_138, %lt3A_139 : i32
      %convert_element_type3A_141 = arith.extui %lt3A_140 : i1 to i32
      %cond3A_142 = arith.constant 0 : i32
      %cond3A_143 = arith.cmpi ne, %convert_element_type3A_141, %cond3A_142 : i32
      scf.if %cond3A_143 {
        %add3A_171 = arith.constant 4 : i32
        %add3A_172 = arith.addi %add3A_118, %add3A_171 : i32
        %dma_start3A_173 = arith.constant 0 : i32
        %dma_start3A_174 = tpu.memref_slice %arg5[%add3A_172, %dma_start3A_173] : memref<160x125xi32, #tpu.memory_space<vmem>> -> memref<1x125xi32, #tpu.memory_space<vmem>>
        %dma_start3A_175 = tpu.memref_squeeze %dma_start3A_174 : memref<1x125xi32, #tpu.memory_space<vmem>> -> memref<125xi32, #tpu.memory_space<vmem>>
        %dma_start3A_176 = arith.constant 0 : i32
        %dma_start3A_177 = arith.constant 0 : i32
        %dma_start3A_178 = tpu.memref_slice %arg3[%dma_start3A_176, %dma_start3A_177] : memref<20000x64xf32, #tpu.memory_space<hbm>> -> memref<20000x64xf32, #tpu.memory_space<hbm>>
        tpu.enqueue_indirect_dma source(%dma_start3A_178 : memref<20000x64xf32, #tpu.memory_space<hbm>>) target(%arg9 : memref<125x64xf32, #tpu.memory_space<vmem>>) offsets(%dma_start3A_175 : memref<125xi32, #tpu.memory_space<vmem>>) semaphore(%arg13 : memref<!tpu.dma_semaphore, #tpu.memory_space<semaphore_mem>>)
      } else {
      }
      %add3A_144 = arith.constant 3 : i32
      %add3A_145 = arith.addi %add3A_64, %add3A_144 : i32
      %dma_wait3A_146 = arith.constant 0 : i32
      %dma_wait3A_147 = tpu.memref_slice %arg5[%add3A_145, %dma_wait3A_146] : memref<160x125xi32, #tpu.memory_space<vmem>> -> memref<1x125xi32, #tpu.memory_space<vmem>>
      %dma_wait3A_148 = tpu.memref_squeeze %dma_wait3A_147 : memref<1x125xi32, #tpu.memory_space<vmem>> -> memref<125xi32, #tpu.memory_space<vmem>>
      %dma_wait3A_149 = arith.constant 0 : i32
      %dma_wait3A_150 = arith.constant 0 : i32
      %dma_wait3A_151 = tpu.memref_slice %arg3[%dma_wait3A_149, %dma_wait3A_150] : memref<20000x64xf32, #tpu.memory_space<hbm>> -> memref<20000x64xf32, #tpu.memory_space<hbm>>
      tpu.wait_indirect_dma semaphore(%arg13 : memref<!tpu.dma_semaphore, #tpu.memory_space<semaphore_mem>>) src(%dma_wait3A_151 : memref<20000x64xf32, #tpu.memory_space<hbm>>) dst(%arg10 : memref<125x64xf32, #tpu.memory_space<vmem>>)
      %dma_start3A_152 = arith.constant 0 : i32
      %dma_start3A_153 = tpu.memref_slice %arg6[%add3A_145, %dma_start3A_152] : memref<160x125xi32, #tpu.memory_space<vmem>> -> memref<1x125xi32, #tpu.memory_space<vmem>>
      %dma_start3A_154 = tpu.memref_squeeze %dma_start3A_153 : memref<1x125xi32, #tpu.memory_space<vmem>> -> memref<125xi32, #tpu.memory_space<vmem>>
      %dma_start3A_155 = arith.constant 0 : i32
      %dma_start3A_156 = arith.constant 0 : i32
      %dma_start3A_157 = tpu.memref_slice %arg12[%dma_start3A_155, %dma_start3A_156] : memref<10000x64xf32, #tpu.memory_space<vmem_shared>> -> memref<10000x64xf32, #tpu.memory_space<vmem_shared>>
      tpu.enqueue_indirect_dma source(%arg10 : memref<125x64xf32, #tpu.memory_space<vmem>>) target(%dma_start3A_157 : memref<10000x64xf32, #tpu.memory_space<vmem_shared>>) offsets(%dma_start3A_154 : memref<125xi32, #tpu.memory_space<vmem>>) semaphore(%arg14 : memref<!tpu.dma_semaphore, #tpu.memory_space<semaphore_mem>>) {add = true}
      %dma_wait3A_158 = arith.constant 0 : i32
      %dma_wait3A_159 = tpu.memref_slice %arg6[%add3A_145, %dma_wait3A_158] : memref<160x125xi32, #tpu.memory_space<vmem>> -> memref<1x125xi32, #tpu.memory_space<vmem>>
      %dma_wait3A_160 = tpu.memref_squeeze %dma_wait3A_159 : memref<1x125xi32, #tpu.memory_space<vmem>> -> memref<125xi32, #tpu.memory_space<vmem>>
      %dma_wait3A_161 = arith.constant 0 : i32
      %dma_wait3A_162 = arith.constant 0 : i32
      %dma_wait3A_163 = tpu.memref_slice %arg12[%dma_wait3A_161, %dma_wait3A_162] : memref<10000x64xf32, #tpu.memory_space<vmem_shared>> -> memref<10000x64xf32, #tpu.memory_space<vmem_shared>>
      tpu.wait_indirect_dma semaphore(%arg14 : memref<!tpu.dma_semaphore, #tpu.memory_space<semaphore_mem>>) src(%arg10 : memref<125x64xf32, #tpu.memory_space<vmem>>) dst(%dma_wait3A_163 : memref<10000x64xf32, #tpu.memory_space<vmem_shared>>)
      %add3A_164 = arith.constant 4 : i32
      %add3A_165 = arith.addi %add3A_145, %add3A_164 : i32
      %lt3A_166 = arith.constant 160 : i32
      %lt3A_167 = arith.cmpi slt, %add3A_165, %lt3A_166 : i32
      %convert_element_type3A_168 = arith.extui %lt3A_167 : i1 to i32
      %cond3A_169 = arith.constant 0 : i32
      %cond3A_170 = arith.cmpi ne, %convert_element_type3A_168, %cond3A_169 : i32
      scf.if %cond3A_170 {
        %add3A_171 = arith.constant 4 : i32
        %add3A_172 = arith.addi %add3A_145, %add3A_171 : i32
        %dma_start3A_173 = arith.constant 0 : i32
        %dma_start3A_174 = tpu.memref_slice %arg5[%add3A_172, %dma_start3A_173] : memref<160x125xi32, #tpu.memory_space<vmem>> -> memref<1x125xi32, #tpu.memory_space<vmem>>
        %dma_start3A_175 = tpu.memref_squeeze %dma_start3A_174 : memref<1x125xi32, #tpu.memory_space<vmem>> -> memref<125xi32, #tpu.memory_space<vmem>>
        %dma_start3A_176 = arith.constant 0 : i32
        %dma_start3A_177 = arith.constant 0 : i32
        %dma_start3A_178 = tpu.memref_slice %arg3[%dma_start3A_176, %dma_start3A_177] : memref<20000x64xf32, #tpu.memory_space<hbm>> -> memref<20000x64xf32, #tpu.memory_space<hbm>>
        tpu.enqueue_indirect_dma source(%dma_start3A_178 : memref<20000x64xf32, #tpu.memory_space<hbm>>) target(%arg10 : memref<125x64xf32, #tpu.memory_space<vmem>>) offsets(%dma_start3A_175 : memref<125xi32, #tpu.memory_space<vmem>>) semaphore(%arg13 : memref<!tpu.dma_semaphore, #tpu.memory_space<semaphore_mem>>)
      } else {
      }
    }
    %scan3A_54 = arith.constant 40 : i32
    %barrier3A_55 = arith.constant 0 : index
    tpu.barrier barrier_id(%barrier3A_55)
    %mul3A_56 = arith.constant 624 : i32
    %mul3A_57 = arith.muli %arg1, %mul3A_56 : i32
    "tpu.region"() ({
      %run_scoped3A_60 = tpu.sem_alloc : memref<!tpu.dma_semaphore, #tpu.memory_space<semaphore_mem>>
      %dma_start3A_61 = arith.constant 0 : i32
      %dma_start3A_62 = tpu.memref_slice %arg4[%arg0, %mul3A_57, %dma_start3A_61] : memref<2x10000x64xf32, #tpu.memory_space<hbm>> -> memref<1x624x64xf32, #tpu.memory_space<hbm>>
      %dma_start3A_63 = tpu.memref_squeeze %dma_start3A_62 : memref<1x624x64xf32, #tpu.memory_space<hbm>> -> memref<624x64xf32, #tpu.memory_space<hbm>>
      %dma_start3A_64 = arith.constant 0 : i32
      %dma_start3A_65 = tpu.memref_slice %arg12[%mul3A_57, %dma_start3A_64] : memref<10000x64xf32, #tpu.memory_space<vmem_shared>> -> memref<624x64xf32, #tpu.memory_space<vmem_shared>>
      tpu.enqueue_dma source(%dma_start3A_65 : memref<624x64xf32, #tpu.memory_space<vmem_shared>>) target(%dma_start3A_63 : memref<624x64xf32, #tpu.memory_space<hbm>>) target_semaphore(%run_scoped3A_60 : memref<!tpu.dma_semaphore, #tpu.memory_space<semaphore_mem>>)
      %dma_wait3A = arith.constant 0 : i32
      %dma_wait3A_66 = tpu.memref_slice %arg4[%arg0, %mul3A_57, %dma_wait3A] : memref<2x10000x64xf32, #tpu.memory_space<hbm>> -> memref<1x624x64xf32, #tpu.memory_space<hbm>>
      %dma_wait3A_67 = tpu.memref_squeeze %dma_wait3A_66 : memref<1x624x64xf32, #tpu.memory_space<hbm>> -> memref<624x64xf32, #tpu.memory_space<hbm>>
      %dma_wait3A_68 = arith.constant 0 : i32
      %dma_wait3A_69 = tpu.memref_slice %arg12[%mul3A_57, %dma_wait3A_68] : memref<10000x64xf32, #tpu.memory_space<vmem_shared>> -> memref<624x64xf32, #tpu.memory_space<vmem_shared>>
      tpu.wait_dma2 semaphore(%run_scoped3A_60 : memref<!tpu.dma_semaphore, #tpu.memory_space<semaphore_mem>>) src(%dma_wait3A_69 : memref<624x64xf32, #tpu.memory_space<vmem_shared>>) dst(%dma_wait3A_67 : memref<624x64xf32, #tpu.memory_space<hbm>>)
      tpu.yield
    }) : () -> ()
    %eq3A = arith.constant 0 : i32
    %eq3A_58 = arith.cmpi eq, %arg1, %eq3A : i32
    %convert_element_type3A = arith.extui %eq3A_58 : i1 to i32
    %cond3A = arith.constant 0 : i32
    %cond3A_59 = arith.cmpi ne, %convert_element_type3A, %cond3A : i32
    scf.if %cond3A_59 {
      "tpu.region"() ({
        %run_scoped3A_60 = tpu.sem_alloc : memref<!tpu.dma_semaphore, #tpu.memory_space<semaphore_mem>>
        %dma_start3A_61 = arith.constant 9984 : i32
        %dma_start3A_62 = arith.constant 0 : i32
        %dma_start3A_63 = tpu.memref_slice %arg4[%arg0, %dma_start3A_61, %dma_start3A_62] : memref<2x10000x64xf32, #tpu.memory_space<hbm>> -> memref<1x16x64xf32, #tpu.memory_space<hbm>>
        %dma_start3A_64 = tpu.memref_squeeze %dma_start3A_63 : memref<1x16x64xf32, #tpu.memory_space<hbm>> -> memref<16x64xf32, #tpu.memory_space<hbm>>
        %dma_start3A_65 = arith.constant 9984 : i32
        %dma_start3A_66 = arith.constant 0 : i32
        %dma_start3A_67 = tpu.memref_slice %arg12[%dma_start3A_65, %dma_start3A_66] : memref<10000x64xf32, #tpu.memory_space<vmem_shared>> -> memref<16x64xf32, #tpu.memory_space<vmem_shared>>
        tpu.enqueue_dma source(%dma_start3A_67 : memref<16x64xf32, #tpu.memory_space<vmem_shared>>) target(%dma_start3A_64 : memref<16x64xf32, #tpu.memory_space<hbm>>) target_semaphore(%run_scoped3A_60 : memref<!tpu.dma_semaphore, #tpu.memory_space<semaphore_mem>>)
        %dma_wait3A = arith.constant 9984 : i32
        %dma_wait3A_68 = arith.constant 0 : i32
        %dma_wait3A_69 = tpu.memref_slice %arg4[%arg0, %dma_wait3A, %dma_wait3A_68] : memref<2x10000x64xf32, #tpu.memory_space<hbm>> -> memref<1x16x64xf32, #tpu.memory_space<hbm>>
        %dma_wait3A_70 = tpu.memref_squeeze %dma_wait3A_69 : memref<1x16x64xf32, #tpu.memory_space<hbm>> -> memref<16x64xf32, #tpu.memory_space<hbm>>
        %dma_wait3A_71 = arith.constant 9984 : i32
        %dma_wait3A_72 = arith.constant 0 : i32
        %dma_wait3A_73 = tpu.memref_slice %arg12[%dma_wait3A_71, %dma_wait3A_72] : memref<10000x64xf32, #tpu.memory_space<vmem_shared>> -> memref<16x64xf32, #tpu.memory_space<vmem_shared>>
        tpu.wait_dma2 semaphore(%run_scoped3A_60 : memref<!tpu.dma_semaphore, #tpu.memory_space<semaphore_mem>>) src(%dma_wait3A_73 : memref<16x64xf32, #tpu.memory_space<vmem_shared>>) dst(%dma_wait3A_70 : memref<16x64xf32, #tpu.memory_space<hbm>>)
        tpu.yield
      }) : () -> ()
    } else {
    }
    return
  }
}

#map = affine_map<(d0, d1) -> (0, 0, 0)>
#map1 = affine_map<(d0, d1) -> (0, 0)>
module attributes {stable_mosaic.version = 14 : i64} {
  func.func @sc_sage_agg_deg(%arg0: i32, %arg1: i32, %arg2: memref<3x2560x125xi32, #tpu.memory_space<hbm>>, %arg3: memref<20000x64xf32, #tpu.memory_space<hbm>>, %arg4: memref<2x10000x64xf32, #tpu.memory_space<hbm>>, %arg5: memref<2x10000x16xf32, #tpu.memory_space<hbm>>, %arg6: memref<160x125xi32, #tpu.memory_space<vmem>>, %arg7: memref<160x125xi32, #tpu.memory_space<vmem>>, %arg8: memref<125x64xf32, #tpu.memory_space<vmem>>, %arg9: memref<125x64xf32, #tpu.memory_space<vmem>>, %arg10: memref<125x64xf32, #tpu.memory_space<vmem>>, %arg11: memref<125x64xf32, #tpu.memory_space<vmem>>, %arg12: memref<125x64xf32, #tpu.memory_space<vmem>>, %arg13: memref<125x16xf32, #tpu.memory_space<vmem>>, %arg14: memref<125x16xf32, #tpu.memory_space<vmem>>, %arg15: memref<10000x64xf32, #tpu.memory_space<vmem_shared>>, %arg16: memref<10000x16xf32, #tpu.memory_space<vmem_shared>>, %arg17: memref<!tpu.dma_semaphore, #tpu.memory_space<semaphore_mem>>, %arg18: memref<!tpu.dma_semaphore, #tpu.memory_space<semaphore_mem>>, %arg19: memref<!tpu.dma_semaphore, #tpu.memory_space<semaphore_mem>>) attributes {dimension_semantics = [#tpu.dimension_semantics<core_parallel>, #tpu.dimension_semantics<subcore_parallel>], iteration_bounds = array<i64: 2, 16>, scalar_prefetch = 0 : i64, scratch_operands = 14 : i64, tpu.core_type = #tpu.core_type<sc_vector_subcore>, window_params = [{transform_indices = #map}, {transform_indices = #map1}, {transform_indices = #map}, {transform_indices = #map}]} {
    %broadcast_in_dim3A = arith.constant 0.000000e+00 : f32
    %broadcast_in_dim3A_0 = vector.broadcast %broadcast_in_dim3A : f32 to vector<16xf32>
    %broadcast_in_dim3A_1 = arith.constant 1.000000e+00 : f32
    %broadcast_in_dim3A_2 = vector.broadcast %broadcast_in_dim3A_1 : f32 to vector<16xf32>
    %scan3A = arith.constant 0 : i32
    %scan3A_3 = arith.constant 125 : i32
    %scan3A_4 = arith.addi %scan3A, %scan3A_3 : i32
    %scan3A_5 = arith.constant 1 : i32
    scf.for %scan3A_102 = %scan3A to %scan3A_4 step %scan3A_5  : i32 {
      %mul3A_103 = arith.constant 1 : i32
      %mul3A_104 = arith.muli %scan3A_102, %mul3A_103 : i32
      %add3A_105 = arith.constant 0 : i32
      %add3A_106 = arith.addi %add3A_105, %mul3A_104 : i32
      %swap3A = arith.index_cast %add3A_106 : i32 to index
      %swap3A_107 = arith.constant 0 : index
      %swap3A_108 = tpu.vector_load %arg12[%swap3A, %swap3A_107] {strides = array<i32>} : memref<125x64xf32, #tpu.memory_space<vmem>>, vector<1x16xf32>,
      %swap3A_109 = vector.shape_cast %swap3A_108 : vector<1x16xf32> to vector<16xf32>
      %swap3A_110 = vector.shape_cast %broadcast_in_dim3A_0 : vector<16xf32> to vector<1x16xf32>
      tpu.vector_store %arg12[%swap3A, %swap3A_107], %swap3A_110 {strides = array<i32>} : memref<125x64xf32, #tpu.memory_space<vmem>>, vector<1x16xf32>,
      %swap3A_111 = arith.index_cast %add3A_106 : i32 to index
      %swap3A_112 = arith.constant 16 : index
      %swap3A_113 = tpu.vector_load %arg12[%swap3A_111, %swap3A_112] {strides = array<i32>} : memref<125x64xf32, #tpu.memory_space<vmem>>, vector<1x16xf32>,
      %swap3A_114 = vector.shape_cast %swap3A_113 : vector<1x16xf32> to vector<16xf32>
      %swap3A_115 = vector.shape_cast %broadcast_in_dim3A_0 : vector<16xf32> to vector<1x16xf32>
      tpu.vector_store %arg12[%swap3A_111, %swap3A_112], %swap3A_115 {strides = array<i32>} : memref<125x64xf32, #tpu.memory_space<vmem>>, vector<1x16xf32>,
      %swap3A_116 = arith.index_cast %add3A_106 : i32 to index
      %swap3A_117 = arith.constant 32 : index
      %swap3A_118 = tpu.vector_load %arg12[%swap3A_116, %swap3A_117] {strides = array<i32>} : memref<125x64xf32, #tpu.memory_space<vmem>>, vector<1x16xf32>,
      %swap3A_119 = vector.shape_cast %swap3A_118 : vector<1x16xf32> to vector<16xf32>
      %swap3A_120 = vector.shape_cast %broadcast_in_dim3A_0 : vector<16xf32> to vector<1x16xf32>
      tpu.vector_store %arg12[%swap3A_116, %swap3A_117], %swap3A_120 {strides = array<i32>} : memref<125x64xf32, #tpu.memory_space<vmem>>, vector<1x16xf32>,
      %swap3A_121 = arith.index_cast %add3A_106 : i32 to index
      %swap3A_122 = arith.constant 48 : index
      %swap3A_123 = tpu.vector_load %arg12[%swap3A_121, %swap3A_122] {strides = array<i32>} : memref<125x64xf32, #tpu.memory_space<vmem>>, vector<1x16xf32>,
      %swap3A_124 = vector.shape_cast %swap3A_123 : vector<1x16xf32> to vector<16xf32>
      %swap3A_125 = vector.shape_cast %broadcast_in_dim3A_0 : vector<16xf32> to vector<1x16xf32>
      tpu.vector_store %arg12[%swap3A_121, %swap3A_122], %swap3A_125 {strides = array<i32>} : memref<125x64xf32, #tpu.memory_space<vmem>>, vector<1x16xf32>,
      %swap3A_126 = arith.index_cast %add3A_106 : i32 to index
      %swap3A_127 = arith.constant 0 : index
      %swap3A_128 = tpu.vector_load %arg13[%swap3A_126, %swap3A_127] {strides = array<i32>} : memref<125x16xf32, #tpu.memory_space<vmem>>, vector<1x16xf32>,
      %swap3A_129 = vector.shape_cast %swap3A_128 : vector<1x16xf32> to vector<16xf32>
      %swap3A_130 = vector.shape_cast %broadcast_in_dim3A_2 : vector<16xf32> to vector<1x16xf32>
      tpu.vector_store %arg13[%swap3A_126, %swap3A_127], %swap3A_130 {strides = array<i32>} : memref<125x16xf32, #tpu.memory_space<vmem>>, vector<1x16xf32>,
      %swap3A_131 = arith.index_cast %add3A_106 : i32 to index
      %swap3A_132 = arith.constant 0 : index
      %swap3A_133 = tpu.vector_load %arg14[%swap3A_131, %swap3A_132] {strides = array<i32>} : memref<125x16xf32, #tpu.memory_space<vmem>>, vector<1x16xf32>,
      %swap3A_134 = vector.shape_cast %swap3A_133 : vector<1x16xf32> to vector<16xf32>
      %swap3A_135 = vector.shape_cast %broadcast_in_dim3A_0 : vector<16xf32> to vector<1x16xf32>
      tpu.vector_store %arg14[%swap3A_131, %swap3A_132], %swap3A_135 {strides = array<i32>} : memref<125x16xf32, #tpu.memory_space<vmem>>, vector<1x16xf32>,
    }
    %scan3A_6 = arith.constant 125 : i32
    %mul3A = arith.constant 625 : i32
    %mul3A_7 = arith.muli %arg1, %mul3A : i32
    %add3A = arith.constant 0 : i32
    %add3A_8 = arith.addi %mul3A_7, %add3A : i32
    "tpu.region"() ({
      %run_scoped3A_102 = tpu.sem_alloc : memref<!tpu.dma_semaphore, #tpu.memory_space<semaphore_mem>>
      %dma_start3A_103 = arith.constant 0 : i32
      %dma_start3A_104 = tpu.memref_slice %arg15[%add3A_8, %dma_start3A_103] : memref<10000x64xf32, #tpu.memory_space<vmem_shared>> -> memref<125x64xf32, #tpu.memory_space<vmem_shared>>
      %dma_start3A_105 = arith.constant 0 : i32
      %dma_start3A_106 = tpu.memref_slice %arg15[%add3A_8, %dma_start3A_105] : memref<10000x64xf32, #tpu.memory_space<vmem_shared>> -> memref<125x64xf32, #tpu.memory_space<vmem_shared>>
      tpu.enqueue_dma source(%arg12 : memref<125x64xf32, #tpu.memory_space<vmem>>) target(%dma_start3A_106 : memref<125x64xf32, #tpu.memory_space<vmem_shared>>) target_semaphore(%run_scoped3A_102 : memref<!tpu.dma_semaphore, #tpu.memory_space<semaphore_mem>>)
      %dma_wait3A_107 = arith.constant 0 : i32
      %dma_wait3A_108 = tpu.memref_slice %arg15[%add3A_8, %dma_wait3A_107] : memref<10000x64xf32, #tpu.memory_space<vmem_shared>> -> memref<125x64xf32, #tpu.memory_space<vmem_shared>>
      %dma_wait3A_109 = arith.constant 0 : i32
      %dma_wait3A_110 = tpu.memref_slice %arg15[%add3A_8, %dma_wait3A_109] : memref<10000x64xf32, #tpu.memory_space<vmem_shared>> -> memref<125x64xf32, #tpu.memory_space<vmem_shared>>
      tpu.wait_dma2 semaphore(%run_scoped3A_102 : memref<!tpu.dma_semaphore, #tpu.memory_space<semaphore_mem>>) src(%arg12 : memref<125x64xf32, #tpu.memory_space<vmem>>) dst(%dma_wait3A_110 : memref<125x64xf32, #tpu.memory_space<vmem_shared>>)
      tpu.yield
    }) : () -> ()
    %add3A_9 = arith.constant 0 : i32
    %add3A_10 = arith.addi %mul3A_7, %add3A_9 : i32
    "tpu.region"() ({
      %run_scoped3A_102 = tpu.sem_alloc : memref<!tpu.dma_semaphore, #tpu.memory_space<semaphore_mem>>
      %dma_start3A_103 = arith.constant 0 : i32
      %dma_start3A_104 = tpu.memref_slice %arg16[%add3A_10, %dma_start3A_103] : memref<10000x16xf32, #tpu.memory_space<vmem_shared>> -> memref<125x16xf32, #tpu.memory_space<vmem_shared>>
      %dma_start3A_105 = arith.constant 0 : i32
      %dma_start3A_106 = tpu.memref_slice %arg16[%add3A_10, %dma_start3A_105] : memref<10000x16xf32, #tpu.memory_space<vmem_shared>> -> memref<125x16xf32, #tpu.memory_space<vmem_shared>>
      tpu.enqueue_dma source(%arg14 : memref<125x16xf32, #tpu.memory_space<vmem>>) target(%dma_start3A_106 : memref<125x16xf32, #tpu.memory_space<vmem_shared>>) target_semaphore(%run_scoped3A_102 : memref<!tpu.dma_semaphore, #tpu.memory_space<semaphore_mem>>)
      %dma_wait3A_107 = arith.constant 0 : i32
      %dma_wait3A_108 = tpu.memref_slice %arg16[%add3A_10, %dma_wait3A_107] : memref<10000x16xf32, #tpu.memory_space<vmem_shared>> -> memref<125x16xf32, #tpu.memory_space<vmem_shared>>
      %dma_wait3A_109 = arith.constant 0 : i32
      %dma_wait3A_110 = tpu.memref_slice %arg16[%add3A_10, %dma_wait3A_109] : memref<10000x16xf32, #tpu.memory_space<vmem_shared>> -> memref<125x16xf32, #tpu.memory_space<vmem_shared>>
      tpu.wait_dma2 semaphore(%run_scoped3A_102 : memref<!tpu.dma_semaphore, #tpu.memory_space<semaphore_mem>>) src(%arg14 : memref<125x16xf32, #tpu.memory_space<vmem>>) dst(%dma_wait3A_110 : memref<125x16xf32, #tpu.memory_space<vmem_shared>>)
      tpu.yield
    }) : () -> ()
    %add3A_11 = arith.constant 125 : i32
    %add3A_12 = arith.addi %mul3A_7, %add3A_11 : i32
    "tpu.region"() ({
      %run_scoped3A_102 = tpu.sem_alloc : memref<!tpu.dma_semaphore, #tpu.memory_space<semaphore_mem>>
      %dma_start3A_103 = arith.constant 0 : i32
      %dma_start3A_104 = tpu.memref_slice %arg15[%add3A_12, %dma_start3A_103] : memref<10000x64xf32, #tpu.memory_space<vmem_shared>> -> memref<125x64xf32, #tpu.memory_space<vmem_shared>>
      %dma_start3A_105 = arith.constant 0 : i32
      %dma_start3A_106 = tpu.memref_slice %arg15[%add3A_12, %dma_start3A_105] : memref<10000x64xf32, #tpu.memory_space<vmem_shared>> -> memref<125x64xf32, #tpu.memory_space<vmem_shared>>
      tpu.enqueue_dma source(%arg12 : memref<125x64xf32, #tpu.memory_space<vmem>>) target(%dma_start3A_106 : memref<125x64xf32, #tpu.memory_space<vmem_shared>>) target_semaphore(%run_scoped3A_102 : memref<!tpu.dma_semaphore, #tpu.memory_space<semaphore_mem>>)
      %dma_wait3A_107 = arith.constant 0 : i32
      %dma_wait3A_108 = tpu.memref_slice %arg15[%add3A_12, %dma_wait3A_107] : memref<10000x64xf32, #tpu.memory_space<vmem_shared>> -> memref<125x64xf32, #tpu.memory_space<vmem_shared>>
      %dma_wait3A_109 = arith.constant 0 : i32
      %dma_wait3A_110 = tpu.memref_slice %arg15[%add3A_12, %dma_wait3A_109] : memref<10000x64xf32, #tpu.memory_space<vmem_shared>> -> memref<125x64xf32, #tpu.memory_space<vmem_shared>>
      tpu.wait_dma2 semaphore(%run_scoped3A_102 : memref<!tpu.dma_semaphore, #tpu.memory_space<semaphore_mem>>) src(%arg12 : memref<125x64xf32, #tpu.memory_space<vmem>>) dst(%dma_wait3A_110 : memref<125x64xf32, #tpu.memory_space<vmem_shared>>)
      tpu.yield
    }) : () -> ()
    %add3A_13 = arith.constant 125 : i32
    %add3A_14 = arith.addi %mul3A_7, %add3A_13 : i32
    "tpu.region"() ({
      %run_scoped3A_102 = tpu.sem_alloc : memref<!tpu.dma_semaphore, #tpu.memory_space<semaphore_mem>>
      %dma_start3A_103 = arith.constant 0 : i32
      %dma_start3A_104 = tpu.memref_slice %arg16[%add3A_14, %dma_start3A_103] : memref<10000x16xf32, #tpu.memory_space<vmem_shared>> -> memref<125x16xf32, #tpu.memory_space<vmem_shared>>
      %dma_start3A_105 = arith.constant 0 : i32
      %dma_start3A_106 = tpu.memref_slice %arg16[%add3A_14, %dma_start3A_105] : memref<10000x16xf32, #tpu.memory_space<vmem_shared>> -> memref<125x16xf32, #tpu.memory_space<vmem_shared>>
      tpu.enqueue_dma source(%arg14 : memref<125x16xf32, #tpu.memory_space<vmem>>) target(%dma_start3A_106 : memref<125x16xf32, #tpu.memory_space<vmem_shared>>) target_semaphore(%run_scoped3A_102 : memref<!tpu.dma_semaphore, #tpu.memory_space<semaphore_mem>>)
      %dma_wait3A_107 = arith.constant 0 : i32
      %dma_wait3A_108 = tpu.memref_slice %arg16[%add3A_14, %dma_wait3A_107] : memref<10000x16xf32, #tpu.memory_space<vmem_shared>> -> memref<125x16xf32, #tpu.memory_space<vmem_shared>>
      %dma_wait3A_109 = arith.constant 0 : i32
      %dma_wait3A_110 = tpu.memref_slice %arg16[%add3A_14, %dma_wait3A_109] : memref<10000x16xf32, #tpu.memory_space<vmem_shared>> -> memref<125x16xf32, #tpu.memory_space<vmem_shared>>
      tpu.wait_dma2 semaphore(%run_scoped3A_102 : memref<!tpu.dma_semaphore, #tpu.memory_space<semaphore_mem>>) src(%arg14 : memref<125x16xf32, #tpu.memory_space<vmem>>) dst(%dma_wait3A_110 : memref<125x16xf32, #tpu.memory_space<vmem_shared>>)
      tpu.yield
    }) : () -> ()
    %add3A_15 = arith.constant 250 : i32
    %add3A_16 = arith.addi %mul3A_7, %add3A_15 : i32
    "tpu.region"() ({
      %run_scoped3A_102 = tpu.sem_alloc : memref<!tpu.dma_semaphore, #tpu.memory_space<semaphore_mem>>
      %dma_start3A_103 = arith.constant 0 : i32
      %dma_start3A_104 = tpu.memref_slice %arg15[%add3A_16, %dma_start3A_103] : memref<10000x64xf32, #tpu.memory_space<vmem_shared>> -> memref<125x64xf32, #tpu.memory_space<vmem_shared>>
      %dma_start3A_105 = arith.constant 0 : i32
      %dma_start3A_106 = tpu.memref_slice %arg15[%add3A_16, %dma_start3A_105] : memref<10000x64xf32, #tpu.memory_space<vmem_shared>> -> memref<125x64xf32, #tpu.memory_space<vmem_shared>>
      tpu.enqueue_dma source(%arg12 : memref<125x64xf32, #tpu.memory_space<vmem>>) target(%dma_start3A_106 : memref<125x64xf32, #tpu.memory_space<vmem_shared>>) target_semaphore(%run_scoped3A_102 : memref<!tpu.dma_semaphore, #tpu.memory_space<semaphore_mem>>)
      %dma_wait3A_107 = arith.constant 0 : i32
      %dma_wait3A_108 = tpu.memref_slice %arg15[%add3A_16, %dma_wait3A_107] : memref<10000x64xf32, #tpu.memory_space<vmem_shared>> -> memref<125x64xf32, #tpu.memory_space<vmem_shared>>
      %dma_wait3A_109 = arith.constant 0 : i32
      %dma_wait3A_110 = tpu.memref_slice %arg15[%add3A_16, %dma_wait3A_109] : memref<10000x64xf32, #tpu.memory_space<vmem_shared>> -> memref<125x64xf32, #tpu.memory_space<vmem_shared>>
      tpu.wait_dma2 semaphore(%run_scoped3A_102 : memref<!tpu.dma_semaphore, #tpu.memory_space<semaphore_mem>>) src(%arg12 : memref<125x64xf32, #tpu.memory_space<vmem>>) dst(%dma_wait3A_110 : memref<125x64xf32, #tpu.memory_space<vmem_shared>>)
      tpu.yield
    }) : () -> ()
    %add3A_17 = arith.constant 250 : i32
    %add3A_18 = arith.addi %mul3A_7, %add3A_17 : i32
    "tpu.region"() ({
      %run_scoped3A_102 = tpu.sem_alloc : memref<!tpu.dma_semaphore, #tpu.memory_space<semaphore_mem>>
      %dma_start3A_103 = arith.constant 0 : i32
      %dma_start3A_104 = tpu.memref_slice %arg16[%add3A_18, %dma_start3A_103] : memref<10000x16xf32, #tpu.memory_space<vmem_shared>> -> memref<125x16xf32, #tpu.memory_space<vmem_shared>>
      %dma_start3A_105 = arith.constant 0 : i32
      %dma_start3A_106 = tpu.memref_slice %arg16[%add3A_18, %dma_start3A_105] : memref<10000x16xf32, #tpu.memory_space<vmem_shared>> -> memref<125x16xf32, #tpu.memory_space<vmem_shared>>
      tpu.enqueue_dma source(%arg14 : memref<125x16xf32, #tpu.memory_space<vmem>>) target(%dma_start3A_106 : memref<125x16xf32, #tpu.memory_space<vmem_shared>>) target_semaphore(%run_scoped3A_102 : memref<!tpu.dma_semaphore, #tpu.memory_space<semaphore_mem>>)
      %dma_wait3A_107 = arith.constant 0 : i32
      %dma_wait3A_108 = tpu.memref_slice %arg16[%add3A_18, %dma_wait3A_107] : memref<10000x16xf32, #tpu.memory_space<vmem_shared>> -> memref<125x16xf32, #tpu.memory_space<vmem_shared>>
      %dma_wait3A_109 = arith.constant 0 : i32
      %dma_wait3A_110 = tpu.memref_slice %arg16[%add3A_18, %dma_wait3A_109] : memref<10000x16xf32, #tpu.memory_space<vmem_shared>> -> memref<125x16xf32, #tpu.memory_space<vmem_shared>>
      tpu.wait_dma2 semaphore(%run_scoped3A_102 : memref<!tpu.dma_semaphore, #tpu.memory_space<semaphore_mem>>) src(%arg14 : memref<125x16xf32, #tpu.memory_space<vmem>>) dst(%dma_wait3A_110 : memref<125x16xf32, #tpu.memory_space<vmem_shared>>)
      tpu.yield
    }) : () -> ()
    %add3A_19 = arith.constant 375 : i32
    %add3A_20 = arith.addi %mul3A_7, %add3A_19 : i32
    "tpu.region"() ({
      %run_scoped3A_102 = tpu.sem_alloc : memref<!tpu.dma_semaphore, #tpu.memory_space<semaphore_mem>>
      %dma_start3A_103 = arith.constant 0 : i32
      %dma_start3A_104 = tpu.memref_slice %arg15[%add3A_20, %dma_start3A_103] : memref<10000x64xf32, #tpu.memory_space<vmem_shared>> -> memref<125x64xf32, #tpu.memory_space<vmem_shared>>
      %dma_start3A_105 = arith.constant 0 : i32
      %dma_start3A_106 = tpu.memref_slice %arg15[%add3A_20, %dma_start3A_105] : memref<10000x64xf32, #tpu.memory_space<vmem_shared>> -> memref<125x64xf32, #tpu.memory_space<vmem_shared>>
      tpu.enqueue_dma source(%arg12 : memref<125x64xf32, #tpu.memory_space<vmem>>) target(%dma_start3A_106 : memref<125x64xf32, #tpu.memory_space<vmem_shared>>) target_semaphore(%run_scoped3A_102 : memref<!tpu.dma_semaphore, #tpu.memory_space<semaphore_mem>>)
      %dma_wait3A_107 = arith.constant 0 : i32
      %dma_wait3A_108 = tpu.memref_slice %arg15[%add3A_20, %dma_wait3A_107] : memref<10000x64xf32, #tpu.memory_space<vmem_shared>> -> memref<125x64xf32, #tpu.memory_space<vmem_shared>>
      %dma_wait3A_109 = arith.constant 0 : i32
      %dma_wait3A_110 = tpu.memref_slice %arg15[%add3A_20, %dma_wait3A_109] : memref<10000x64xf32, #tpu.memory_space<vmem_shared>> -> memref<125x64xf32, #tpu.memory_space<vmem_shared>>
      tpu.wait_dma2 semaphore(%run_scoped3A_102 : memref<!tpu.dma_semaphore, #tpu.memory_space<semaphore_mem>>) src(%arg12 : memref<125x64xf32, #tpu.memory_space<vmem>>) dst(%dma_wait3A_110 : memref<125x64xf32, #tpu.memory_space<vmem_shared>>)
      tpu.yield
    }) : () -> ()
    %add3A_21 = arith.constant 375 : i32
    %add3A_22 = arith.addi %mul3A_7, %add3A_21 : i32
    "tpu.region"() ({
      %run_scoped3A_102 = tpu.sem_alloc : memref<!tpu.dma_semaphore, #tpu.memory_space<semaphore_mem>>
      %dma_start3A_103 = arith.constant 0 : i32
      %dma_start3A_104 = tpu.memref_slice %arg16[%add3A_22, %dma_start3A_103] : memref<10000x16xf32, #tpu.memory_space<vmem_shared>> -> memref<125x16xf32, #tpu.memory_space<vmem_shared>>
      %dma_start3A_105 = arith.constant 0 : i32
      %dma_start3A_106 = tpu.memref_slice %arg16[%add3A_22, %dma_start3A_105] : memref<10000x16xf32, #tpu.memory_space<vmem_shared>> -> memref<125x16xf32, #tpu.memory_space<vmem_shared>>
      tpu.enqueue_dma source(%arg14 : memref<125x16xf32, #tpu.memory_space<vmem>>) target(%dma_start3A_106 : memref<125x16xf32, #tpu.memory_space<vmem_shared>>) target_semaphore(%run_scoped3A_102 : memref<!tpu.dma_semaphore, #tpu.memory_space<semaphore_mem>>)
      %dma_wait3A_107 = arith.constant 0 : i32
      %dma_wait3A_108 = tpu.memref_slice %arg16[%add3A_22, %dma_wait3A_107] : memref<10000x16xf32, #tpu.memory_space<vmem_shared>> -> memref<125x16xf32, #tpu.memory_space<vmem_shared>>
      %dma_wait3A_109 = arith.constant 0 : i32
      %dma_wait3A_110 = tpu.memref_slice %arg16[%add3A_22, %dma_wait3A_109] : memref<10000x16xf32, #tpu.memory_space<vmem_shared>> -> memref<125x16xf32, #tpu.memory_space<vmem_shared>>
      tpu.wait_dma2 semaphore(%run_scoped3A_102 : memref<!tpu.dma_semaphore, #tpu.memory_space<semaphore_mem>>) src(%arg14 : memref<125x16xf32, #tpu.memory_space<vmem>>) dst(%dma_wait3A_110 : memref<125x16xf32, #tpu.memory_space<vmem_shared>>)
      tpu.yield
    }) : () -> ()
    %add3A_23 = arith.constant 500 : i32
    %add3A_24 = arith.addi %mul3A_7, %add3A_23 : i32
    "tpu.region"() ({
      %run_scoped3A_102 = tpu.sem_alloc : memref<!tpu.dma_semaphore, #tpu.memory_space<semaphore_mem>>
      %dma_start3A_103 = arith.constant 0 : i32
      %dma_start3A_104 = tpu.memref_slice %arg15[%add3A_24, %dma_start3A_103] : memref<10000x64xf32, #tpu.memory_space<vmem_shared>> -> memref<125x64xf32, #tpu.memory_space<vmem_shared>>
      %dma_start3A_105 = arith.constant 0 : i32
      %dma_start3A_106 = tpu.memref_slice %arg15[%add3A_24, %dma_start3A_105] : memref<10000x64xf32, #tpu.memory_space<vmem_shared>> -> memref<125x64xf32, #tpu.memory_space<vmem_shared>>
      tpu.enqueue_dma source(%arg12 : memref<125x64xf32, #tpu.memory_space<vmem>>) target(%dma_start3A_106 : memref<125x64xf32, #tpu.memory_space<vmem_shared>>) target_semaphore(%run_scoped3A_102 : memref<!tpu.dma_semaphore, #tpu.memory_space<semaphore_mem>>)
      %dma_wait3A_107 = arith.constant 0 : i32
      %dma_wait3A_108 = tpu.memref_slice %arg15[%add3A_24, %dma_wait3A_107] : memref<10000x64xf32, #tpu.memory_space<vmem_shared>> -> memref<125x64xf32, #tpu.memory_space<vmem_shared>>
      %dma_wait3A_109 = arith.constant 0 : i32
      %dma_wait3A_110 = tpu.memref_slice %arg15[%add3A_24, %dma_wait3A_109] : memref<10000x64xf32, #tpu.memory_space<vmem_shared>> -> memref<125x64xf32, #tpu.memory_space<vmem_shared>>
      tpu.wait_dma2 semaphore(%run_scoped3A_102 : memref<!tpu.dma_semaphore, #tpu.memory_space<semaphore_mem>>) src(%arg12 : memref<125x64xf32, #tpu.memory_space<vmem>>) dst(%dma_wait3A_110 : memref<125x64xf32, #tpu.memory_space<vmem_shared>>)
      tpu.yield
    }) : () -> ()
    %add3A_25 = arith.constant 500 : i32
    %add3A_26 = arith.addi %mul3A_7, %add3A_25 : i32
    "tpu.region"() ({
      %run_scoped3A_102 = tpu.sem_alloc : memref<!tpu.dma_semaphore, #tpu.memory_space<semaphore_mem>>
      %dma_start3A_103 = arith.constant 0 : i32
      %dma_start3A_104 = tpu.memref_slice %arg16[%add3A_26, %dma_start3A_103] : memref<10000x16xf32, #tpu.memory_space<vmem_shared>> -> memref<125x16xf32, #tpu.memory_space<vmem_shared>>
      %dma_start3A_105 = arith.constant 0 : i32
      %dma_start3A_106 = tpu.memref_slice %arg16[%add3A_26, %dma_start3A_105] : memref<10000x16xf32, #tpu.memory_space<vmem_shared>> -> memref<125x16xf32, #tpu.memory_space<vmem_shared>>
      tpu.enqueue_dma source(%arg14 : memref<125x16xf32, #tpu.memory_space<vmem>>) target(%dma_start3A_106 : memref<125x16xf32, #tpu.memory_space<vmem_shared>>) target_semaphore(%run_scoped3A_102 : memref<!tpu.dma_semaphore, #tpu.memory_space<semaphore_mem>>)
      %dma_wait3A_107 = arith.constant 0 : i32
      %dma_wait3A_108 = tpu.memref_slice %arg16[%add3A_26, %dma_wait3A_107] : memref<10000x16xf32, #tpu.memory_space<vmem_shared>> -> memref<125x16xf32, #tpu.memory_space<vmem_shared>>
      %dma_wait3A_109 = arith.constant 0 : i32
      %dma_wait3A_110 = tpu.memref_slice %arg16[%add3A_26, %dma_wait3A_109] : memref<10000x16xf32, #tpu.memory_space<vmem_shared>> -> memref<125x16xf32, #tpu.memory_space<vmem_shared>>
      tpu.wait_dma2 semaphore(%run_scoped3A_102 : memref<!tpu.dma_semaphore, #tpu.memory_space<semaphore_mem>>) src(%arg14 : memref<125x16xf32, #tpu.memory_space<vmem>>) dst(%dma_wait3A_110 : memref<125x16xf32, #tpu.memory_space<vmem_shared>>)
      tpu.yield
    }) : () -> ()
    %mul3A_27 = arith.constant 160 : i32
    %mul3A_28 = arith.muli %arg1, %mul3A_27 : i32
    "tpu.region"() ({
      %run_scoped3A_102 = tpu.sem_alloc : memref<!tpu.dma_semaphore, #tpu.memory_space<semaphore_mem>>
      %dma_start3A_103 = arith.constant 0 : i32
      %dma_start3A_104 = tpu.memref_slice %arg2[%arg0, %mul3A_28, %dma_start3A_103] : memref<3x2560x125xi32, #tpu.memory_space<hbm>> -> memref<1x160x125xi32, #tpu.memory_space<hbm>>
      %dma_start3A_105 = tpu.memref_squeeze %dma_start3A_104 : memref<1x160x125xi32, #tpu.memory_space<hbm>> -> memref<160x125xi32, #tpu.memory_space<hbm>>
      %dma_start3A_106 = arith.constant 0 : i32
      %dma_start3A_107 = tpu.memref_slice %arg2[%arg0, %mul3A_28, %dma_start3A_106] : memref<3x2560x125xi32, #tpu.memory_space<hbm>> -> memref<1x160x125xi32, #tpu.memory_space<hbm>>
      %dma_start3A_108 = tpu.memref_squeeze %dma_start3A_107 : memref<1x160x125xi32, #tpu.memory_space<hbm>> -> memref<160x125xi32, #tpu.memory_space<hbm>>
      tpu.enqueue_dma source(%dma_start3A_108 : memref<160x125xi32, #tpu.memory_space<hbm>>) target(%arg6 : memref<160x125xi32, #tpu.memory_space<vmem>>) target_semaphore(%run_scoped3A_102 : memref<!tpu.dma_semaphore, #tpu.memory_space<semaphore_mem>>)
      %dma_wait3A_109 = arith.constant 0 : i32
      %dma_wait3A_110 = tpu.memref_slice %arg2[%arg0, %mul3A_28, %dma_wait3A_109] : memref<3x2560x125xi32, #tpu.memory_space<hbm>> -> memref<1x160x125xi32, #tpu.memory_space<hbm>>
      %dma_wait3A_111 = tpu.memref_squeeze %dma_wait3A_110 : memref<1x160x125xi32, #tpu.memory_space<hbm>> -> memref<160x125xi32, #tpu.memory_space<hbm>>
      %dma_wait3A_112 = arith.constant 0 : i32
      %dma_wait3A_113 = tpu.memref_slice %arg2[%arg0, %mul3A_28, %dma_wait3A_112] : memref<3x2560x125xi32, #tpu.memory_space<hbm>> -> memref<1x160x125xi32, #tpu.memory_space<hbm>>
      %dma_wait3A_114 = tpu.memref_squeeze %dma_wait3A_113 : memref<1x160x125xi32, #tpu.memory_space<hbm>> -> memref<160x125xi32, #tpu.memory_space<hbm>>
      tpu.wait_dma2 semaphore(%run_scoped3A_102 : memref<!tpu.dma_semaphore, #tpu.memory_space<semaphore_mem>>) src(%dma_wait3A_114 : memref<160x125xi32, #tpu.memory_space<hbm>>) dst(%arg6 : memref<160x125xi32, #tpu.memory_space<vmem>>)
      tpu.yield
    }) : () -> ()
    %run_scoped3A = arith.constant 2 : i32
    "tpu.region"() ({
      %run_scoped3A_102 = tpu.sem_alloc : memref<!tpu.dma_semaphore, #tpu.memory_space<semaphore_mem>>
      %dma_start3A_103 = arith.constant 0 : i32
      %dma_start3A_104 = tpu.memref_slice %arg2[%run_scoped3A, %mul3A_28, %dma_start3A_103] : memref<3x2560x125xi32, #tpu.memory_space<hbm>> -> memref<1x160x125xi32, #tpu.memory_space<hbm>>
      %dma_start3A_105 = tpu.memref_squeeze %dma_start3A_104 : memref<1x160x125xi32, #tpu.memory_space<hbm>> -> memref<160x125xi32, #tpu.memory_space<hbm>>
      %dma_start3A_106 = arith.constant 0 : i32
      %dma_start3A_107 = tpu.memref_slice %arg2[%run_scoped3A, %mul3A_28, %dma_start3A_106] : memref<3x2560x125xi32, #tpu.memory_space<hbm>> -> memref<1x160x125xi32, #tpu.memory_space<hbm>>
      %dma_start3A_108 = tpu.memref_squeeze %dma_start3A_107 : memref<1x160x125xi32, #tpu.memory_space<hbm>> -> memref<160x125xi32, #tpu.memory_space<hbm>>
      tpu.enqueue_dma source(%dma_start3A_108 : memref<160x125xi32, #tpu.memory_space<hbm>>) target(%arg7 : memref<160x125xi32, #tpu.memory_space<vmem>>) target_semaphore(%run_scoped3A_102 : memref<!tpu.dma_semaphore, #tpu.memory_space<semaphore_mem>>)
      %dma_wait3A_109 = arith.constant 0 : i32
      %dma_wait3A_110 = tpu.memref_slice %arg2[%run_scoped3A, %mul3A_28, %dma_wait3A_109] : memref<3x2560x125xi32, #tpu.memory_space<hbm>> -> memref<1x160x125xi32, #tpu.memory_space<hbm>>
      %dma_wait3A_111 = tpu.memref_squeeze %dma_wait3A_110 : memref<1x160x125xi32, #tpu.memory_space<hbm>> -> memref<160x125xi32, #tpu.memory_space<hbm>>
      %dma_wait3A_112 = arith.constant 0 : i32
      %dma_wait3A_113 = tpu.memref_slice %arg2[%run_scoped3A, %mul3A_28, %dma_wait3A_112] : memref<3x2560x125xi32, #tpu.memory_space<hbm>> -> memref<1x160x125xi32, #tpu.memory_space<hbm>>
      %dma_wait3A_114 = tpu.memref_squeeze %dma_wait3A_113 : memref<1x160x125xi32, #tpu.memory_space<hbm>> -> memref<160x125xi32, #tpu.memory_space<hbm>>
      tpu.wait_dma2 semaphore(%run_scoped3A_102 : memref<!tpu.dma_semaphore, #tpu.memory_space<semaphore_mem>>) src(%dma_wait3A_114 : memref<160x125xi32, #tpu.memory_space<hbm>>) dst(%arg7 : memref<160x125xi32, #tpu.memory_space<vmem>>)
      tpu.yield
    }) : () -> ()
    %dma_start3A = arith.constant 0 : i32
    %dma_start3A_29 = arith.constant 0 : i32
    %dma_start3A_30 = tpu.memref_slice %arg6[%dma_start3A, %dma_start3A_29] : memref<160x125xi32, #tpu.memory_space<vmem>> -> memref<1x125xi32, #tpu.memory_space<vmem>>
    %dma_start3A_31 = tpu.memref_squeeze %dma_start3A_30 : memref<1x125xi32, #tpu.memory_space<vmem>> -> memref<125xi32, #tpu.memory_space<vmem>>
    %dma_start3A_32 = arith.constant 0 : i32
    %dma_start3A_33 = arith.constant 0 : i32
    %dma_start3A_34 = tpu.memref_slice %arg3[%dma_start3A_32, %dma_start3A_33] : memref<20000x64xf32, #tpu.memory_space<hbm>> -> memref<20000x64xf32, #tpu.memory_space<hbm>>
    tpu.enqueue_indirect_dma source(%dma_start3A_34 : memref<20000x64xf32, #tpu.memory_space<hbm>>) target(%arg8 : memref<125x64xf32, #tpu.memory_space<vmem>>) offsets(%dma_start3A_31 : memref<125xi32, #tpu.memory_space<vmem>>) semaphore(%arg17 : memref<!tpu.dma_semaphore, #tpu.memory_space<semaphore_mem>>)
    %dma_start3A_35 = arith.constant 1 : i32
    %dma_start3A_36 = arith.constant 0 : i32
    %dma_start3A_37 = tpu.memref_slice %arg6[%dma_start3A_35, %dma_start3A_36] : memref<160x125xi32, #tpu.memory_space<vmem>> -> memref<1x125xi32, #tpu.memory_space<vmem>>
    %dma_start3A_38 = tpu.memref_squeeze %dma_start3A_37 : memref<1x125xi32, #tpu.memory_space<vmem>> -> memref<125xi32, #tpu.memory_space<vmem>>
    %dma_start3A_39 = arith.constant 0 : i32
    %dma_start3A_40 = arith.constant 0 : i32
    %dma_start3A_41 = tpu.memref_slice %arg3[%dma_start3A_39, %dma_start3A_40] : memref<20000x64xf32, #tpu.memory_space<hbm>> -> memref<20000x64xf32, #tpu.memory_space<hbm>>
    tpu.enqueue_indirect_dma source(%dma_start3A_41 : memref<20000x64xf32, #tpu.memory_space<hbm>>) target(%arg9 : memref<125x64xf32, #tpu.memory_space<vmem>>) offsets(%dma_start3A_38 : memref<125xi32, #tpu.memory_space<vmem>>) semaphore(%arg17 : memref<!tpu.dma_semaphore, #tpu.memory_space<semaphore_mem>>)
    %dma_start3A_42 = arith.constant 2 : i32
    %dma_start3A_43 = arith.constant 0 : i32
    %dma_start3A_44 = tpu.memref_slice %arg6[%dma_start3A_42, %dma_start3A_43] : memref<160x125xi32, #tpu.memory_space<vmem>> -> memref<1x125xi32, #tpu.memory_space<vmem>>
    %dma_start3A_45 = tpu.memref_squeeze %dma_start3A_44 : memref<1x125xi32, #tpu.memory_space<vmem>> -> memref<125xi32, #tpu.memory_space<vmem>>
    %dma_start3A_46 = arith.constant 0 : i32
    %dma_start3A_47 = arith.constant 0 : i32
    %dma_start3A_48 = tpu.memref_slice %arg3[%dma_start3A_46, %dma_start3A_47] : memref<20000x64xf32, #tpu.memory_space<hbm>> -> memref<20000x64xf32, #tpu.memory_space<hbm>>
    tpu.enqueue_indirect_dma source(%dma_start3A_48 : memref<20000x64xf32, #tpu.memory_space<hbm>>) target(%arg10 : memref<125x64xf32, #tpu.memory_space<vmem>>) offsets(%dma_start3A_45 : memref<125xi32, #tpu.memory_space<vmem>>) semaphore(%arg17 : memref<!tpu.dma_semaphore, #tpu.memory_space<semaphore_mem>>)
    %barrier3A = arith.constant 0 : index
    tpu.barrier barrier_id(%barrier3A)
    %mul3A_49 = arith.constant 80 : i32
    %mul3A_50 = arith.muli %arg0, %mul3A_49 : i32
    %add3A_51 = arith.constant 80 : i32
    %add3A_52 = arith.addi %mul3A_50, %add3A_51 : i32
    %scan3A_53 = arith.constant 0 : i32
    %scan3A_54 = arith.constant 53 : i32
    %scan3A_55 = arith.addi %scan3A_53, %scan3A_54 : i32
    %scan3A_56 = arith.constant 1 : i32
    scf.for %scan3A_102 = %scan3A_53 to %scan3A_55 step %scan3A_56  : i32 {
      %mul3A_103 = arith.constant 3 : i32
      %mul3A_104 = arith.muli %scan3A_102, %mul3A_103 : i32
      %add3A_105 = arith.constant 0 : i32
      %add3A_106 = arith.addi %add3A_105, %mul3A_104 : i32
      %add3A_107 = arith.constant 0 : i32
      %add3A_108 = arith.addi %add3A_106, %add3A_107 : i32
      %dma_wait3A_109 = arith.constant 0 : i32
      %dma_wait3A_110 = tpu.memref_slice %arg6[%add3A_108, %dma_wait3A_109] : memref<160x125xi32, #tpu.memory_space<vmem>> -> memref<1x125xi32, #tpu.memory_space<vmem>>
      %dma_wait3A_111 = tpu.memref_squeeze %dma_wait3A_110 : memref<1x125xi32, #tpu.memory_space<vmem>> -> memref<125xi32, #tpu.memory_space<vmem>>
      %dma_wait3A_112 = arith.constant 0 : i32
      %dma_wait3A_113 = arith.constant 0 : i32
      %dma_wait3A_114 = tpu.memref_slice %arg3[%dma_wait3A_112, %dma_wait3A_113] : memref<20000x64xf32, #tpu.memory_space<hbm>> -> memref<20000x64xf32, #tpu.memory_space<hbm>>
      tpu.wait_indirect_dma semaphore(%arg17 : memref<!tpu.dma_semaphore, #tpu.memory_space<semaphore_mem>>) src(%dma_wait3A_114 : memref<20000x64xf32, #tpu.memory_space<hbm>>) dst(%arg8 : memref<125x64xf32, #tpu.memory_space<vmem>>)
      %dma_start3A_115 = arith.constant 0 : i32
      %dma_start3A_116 = tpu.memref_slice %arg7[%add3A_108, %dma_start3A_115] : memref<160x125xi32, #tpu.memory_space<vmem>> -> memref<1x125xi32, #tpu.memory_space<vmem>>
      %dma_start3A_117 = tpu.memref_squeeze %dma_start3A_116 : memref<1x125xi32, #tpu.memory_space<vmem>> -> memref<125xi32, #tpu.memory_space<vmem>>
      %dma_start3A_118 = arith.constant 0 : i32
      %dma_start3A_119 = arith.constant 0 : i32
      %dma_start3A_120 = tpu.memref_slice %arg15[%dma_start3A_118, %dma_start3A_119] : memref<10000x64xf32, #tpu.memory_space<vmem_shared>> -> memref<10000x64xf32, #tpu.memory_space<vmem_shared>>
      tpu.enqueue_indirect_dma source(%arg8 : memref<125x64xf32, #tpu.memory_space<vmem>>) target(%dma_start3A_120 : memref<10000x64xf32, #tpu.memory_space<vmem_shared>>) offsets(%dma_start3A_117 : memref<125xi32, #tpu.memory_space<vmem>>) semaphore(%arg18 : memref<!tpu.dma_semaphore, #tpu.memory_space<semaphore_mem>>) {add = true}
      %ge3A = arith.cmpi sge, %add3A_108, %mul3A_50 : i32
      %lt3A_121 = arith.cmpi slt, %add3A_108, %add3A_52 : i32
      %and3A_122 = arith.andi %ge3A, %lt3A_121 : i1
      %convert_element_type3A_123 = arith.extui %and3A_122 : i1 to i32
      %cond3A_124 = arith.constant 0 : i32
      %cond3A_125 = arith.cmpi ne, %convert_element_type3A_123, %cond3A_124 : i32
      scf.if %cond3A_125 {
        %dma_start3A_223 = arith.constant 0 : i32
        %dma_start3A_224 = tpu.memref_slice %arg7[%add3A_108, %dma_start3A_223] : memref<160x125xi32, #tpu.memory_space<vmem>> -> memref<1x125xi32, #tpu.memory_space<vmem>>
        %dma_start3A_225 = tpu.memref_squeeze %dma_start3A_224 : memref<1x125xi32, #tpu.memory_space<vmem>> -> memref<125xi32, #tpu.memory_space<vmem>>
        %dma_start3A_226 = arith.constant 0 : i32
        %dma_start3A_227 = arith.constant 0 : i32
        %dma_start3A_228 = tpu.memref_slice %arg16[%dma_start3A_226, %dma_start3A_227] : memref<10000x16xf32, #tpu.memory_space<vmem_shared>> -> memref<10000x16xf32, #tpu.memory_space<vmem_shared>>
        tpu.enqueue_indirect_dma source(%arg13 : memref<125x16xf32, #tpu.memory_space<vmem>>) target(%dma_start3A_228 : memref<10000x16xf32, #tpu.memory_space<vmem_shared>>) offsets(%dma_start3A_225 : memref<125xi32, #tpu.memory_space<vmem>>) semaphore(%arg19 : memref<!tpu.dma_semaphore, #tpu.memory_space<semaphore_mem>>) {add = true}
      } else {
      }
      %gt3A_126 = arith.cmpi sgt, %add3A_108, %mul3A_50 : i32
      %lt3A_127 = arith.cmpi slt, %add3A_108, %add3A_52 : i32
      %and3A_128 = arith.andi %gt3A_126, %lt3A_127 : i1
      %convert_element_type3A_129 = arith.extui %and3A_128 : i1 to i32
      %cond3A_130 = arith.constant 0 : i32
      %cond3A_131 = arith.cmpi ne, %convert_element_type3A_129, %cond3A_130 : i32
      scf.if %cond3A_131 {
        %sub3A_223 = arith.constant 1 : i32
        %sub3A_224 = arith.subi %add3A_108, %sub3A_223 : i32
        %dma_wait3A_225 = arith.constant 0 : i32
        %dma_wait3A_226 = tpu.memref_slice %arg7[%sub3A_224, %dma_wait3A_225] : memref<160x125xi32, #tpu.memory_space<vmem>> -> memref<1x125xi32, #tpu.memory_space<vmem>>
        %dma_wait3A_227 = tpu.memref_squeeze %dma_wait3A_226 : memref<1x125xi32, #tpu.memory_space<vmem>> -> memref<125xi32, #tpu.memory_space<vmem>>
        %dma_wait3A_228 = arith.constant 0 : i32
        %dma_wait3A_229 = arith.constant 0 : i32
        %dma_wait3A_230 = tpu.memref_slice %arg16[%dma_wait3A_228, %dma_wait3A_229] : memref<10000x16xf32, #tpu.memory_space<vmem_shared>> -> memref<10000x16xf32, #tpu.memory_space<vmem_shared>>
        tpu.wait_indirect_dma semaphore(%arg19 : memref<!tpu.dma_semaphore, #tpu.memory_space<semaphore_mem>>) src(%arg13 : memref<125x16xf32, #tpu.memory_space<vmem>>) dst(%dma_wait3A_230 : memref<10000x16xf32, #tpu.memory_space<vmem_shared>>)
      } else {
      }
      %dma_wait3A_132 = arith.constant 0 : i32
      %dma_wait3A_133 = tpu.memref_slice %arg7[%add3A_108, %dma_wait3A_132] : memref<160x125xi32, #tpu.memory_space<vmem>> -> memref<1x125xi32, #tpu.memory_space<vmem>>
      %dma_wait3A_134 = tpu.memref_squeeze %dma_wait3A_133 : memref<1x125xi32, #tpu.memory_space<vmem>> -> memref<125xi32, #tpu.memory_space<vmem>>
      %dma_wait3A_135 = arith.constant 0 : i32
      %dma_wait3A_136 = arith.constant 0 : i32
      %dma_wait3A_137 = tpu.memref_slice %arg15[%dma_wait3A_135, %dma_wait3A_136] : memref<10000x64xf32, #tpu.memory_space<vmem_shared>> -> memref<10000x64xf32, #tpu.memory_space<vmem_shared>>
      tpu.wait_indirect_dma semaphore(%arg18 : memref<!tpu.dma_semaphore, #tpu.memory_space<semaphore_mem>>) src(%arg8 : memref<125x64xf32, #tpu.memory_space<vmem>>) dst(%dma_wait3A_137 : memref<10000x64xf32, #tpu.memory_space<vmem_shared>>)
      %add3A_138 = arith.constant 3 : i32
      %add3A_139 = arith.addi %add3A_108, %add3A_138 : i32
      %lt3A_140 = arith.constant 160 : i32
      %lt3A_141 = arith.cmpi slt, %add3A_139, %lt3A_140 : i32
      %convert_element_type3A_142 = arith.extui %lt3A_141 : i1 to i32
      %cond3A_143 = arith.constant 0 : i32
      %cond3A_144 = arith.cmpi ne, %convert_element_type3A_142, %cond3A_143 : i32
      scf.if %cond3A_144 {
        %add3A_223 = arith.constant 3 : i32
        %add3A_224 = arith.addi %add3A_108, %add3A_223 : i32
        %dma_start3A_225 = arith.constant 0 : i32
        %dma_start3A_226 = tpu.memref_slice %arg6[%add3A_224, %dma_start3A_225] : memref<160x125xi32, #tpu.memory_space<vmem>> -> memref<1x125xi32, #tpu.memory_space<vmem>>
        %dma_start3A_227 = tpu.memref_squeeze %dma_start3A_226 : memref<1x125xi32, #tpu.memory_space<vmem>> -> memref<125xi32, #tpu.memory_space<vmem>>
        %dma_start3A_228 = arith.constant 0 : i32
        %dma_start3A_229 = arith.constant 0 : i32
        %dma_start3A_230 = tpu.memref_slice %arg3[%dma_start3A_228, %dma_start3A_229] : memref<20000x64xf32, #tpu.memory_space<hbm>> -> memref<20000x64xf32, #tpu.memory_space<hbm>>
        tpu.enqueue_indirect_dma source(%dma_start3A_230 : memref<20000x64xf32, #tpu.memory_space<hbm>>) target(%arg8 : memref<125x64xf32, #tpu.memory_space<vmem>>) offsets(%dma_start3A_227 : memref<125xi32, #tpu.memory_space<vmem>>) semaphore(%arg17 : memref<!tpu.dma_semaphore, #tpu.memory_space<semaphore_mem>>)
      } else {
      }
      %add3A_145 = arith.constant 1 : i32
      %add3A_146 = arith.addi %add3A_106, %add3A_145 : i32
      %dma_wait3A_147 = arith.constant 0 : i32
      %dma_wait3A_148 = tpu.memref_slice %arg6[%add3A_146, %dma_wait3A_147] : memref<160x125xi32, #tpu.memory_space<vmem>> -> memref<1x125xi32, #tpu.memory_space<vmem>>
      %dma_wait3A_149 = tpu.memref_squeeze %dma_wait3A_148 : memref<1x125xi32, #tpu.memory_space<vmem>> -> memref<125xi32, #tpu.memory_space<vmem>>
      %dma_wait3A_150 = arith.constant 0 : i32
      %dma_wait3A_151 = arith.constant 0 : i32
      %dma_wait3A_152 = tpu.memref_slice %arg3[%dma_wait3A_150, %dma_wait3A_151] : memref<20000x64xf32, #tpu.memory_space<hbm>> -> memref<20000x64xf32, #tpu.memory_space<hbm>>
      tpu.wait_indirect_dma semaphore(%arg17 : memref<!tpu.dma_semaphore, #tpu.memory_space<semaphore_mem>>) src(%dma_wait3A_152 : memref<20000x64xf32, #tpu.memory_space<hbm>>) dst(%arg9 : memref<125x64xf32, #tpu.memory_space<vmem>>)
      %dma_start3A_153 = arith.constant 0 : i32
      %dma_start3A_154 = tpu.memref_slice %arg7[%add3A_146, %dma_start3A_153] : memref<160x125xi32, #tpu.memory_space<vmem>> -> memref<1x125xi32, #tpu.memory_space<vmem>>
      %dma_start3A_155 = tpu.memref_squeeze %dma_start3A_154 : memref<1x125xi32, #tpu.memory_space<vmem>> -> memref<125xi32, #tpu.memory_space<vmem>>
      %dma_start3A_156 = arith.constant 0 : i32
      %dma_start3A_157 = arith.constant 0 : i32
      %dma_start3A_158 = tpu.memref_slice %arg15[%dma_start3A_156, %dma_start3A_157] : memref<10000x64xf32, #tpu.memory_space<vmem_shared>> -> memref<10000x64xf32, #tpu.memory_space<vmem_shared>>
      tpu.enqueue_indirect_dma source(%arg9 : memref<125x64xf32, #tpu.memory_space<vmem>>) target(%dma_start3A_158 : memref<10000x64xf32, #tpu.memory_space<vmem_shared>>) offsets(%dma_start3A_155 : memref<125xi32, #tpu.memory_space<vmem>>) semaphore(%arg18 : memref<!tpu.dma_semaphore, #tpu.memory_space<semaphore_mem>>) {add = true}
      %ge3A_159 = arith.cmpi sge, %add3A_146, %mul3A_50 : i32
      %lt3A_160 = arith.cmpi slt, %add3A_146, %add3A_52 : i32
      %and3A_161 = arith.andi %ge3A_159, %lt3A_160 : i1
      %convert_element_type3A_162 = arith.extui %and3A_161 : i1 to i32
      %cond3A_163 = arith.constant 0 : i32
      %cond3A_164 = arith.cmpi ne, %convert_element_type3A_162, %cond3A_163 : i32
      scf.if %cond3A_164 {
        %dma_start3A_223 = arith.constant 0 : i32
        %dma_start3A_224 = tpu.memref_slice %arg7[%add3A_146, %dma_start3A_223] : memref<160x125xi32, #tpu.memory_space<vmem>> -> memref<1x125xi32, #tpu.memory_space<vmem>>
        %dma_start3A_225 = tpu.memref_squeeze %dma_start3A_224 : memref<1x125xi32, #tpu.memory_space<vmem>> -> memref<125xi32, #tpu.memory_space<vmem>>
        %dma_start3A_226 = arith.constant 0 : i32
        %dma_start3A_227 = arith.constant 0 : i32
        %dma_start3A_228 = tpu.memref_slice %arg16[%dma_start3A_226, %dma_start3A_227] : memref<10000x16xf32, #tpu.memory_space<vmem_shared>> -> memref<10000x16xf32, #tpu.memory_space<vmem_shared>>
        tpu.enqueue_indirect_dma source(%arg13 : memref<125x16xf32, #tpu.memory_space<vmem>>) target(%dma_start3A_228 : memref<10000x16xf32, #tpu.memory_space<vmem_shared>>) offsets(%dma_start3A_225 : memref<125xi32, #tpu.memory_space<vmem>>) semaphore(%arg19 : memref<!tpu.dma_semaphore, #tpu.memory_space<semaphore_mem>>) {add = true}
      } else {
      }
      %gt3A_165 = arith.cmpi sgt, %add3A_146, %mul3A_50 : i32
      %lt3A_166 = arith.cmpi slt, %add3A_146, %add3A_52 : i32
      %and3A_167 = arith.andi %gt3A_165, %lt3A_166 : i1
      %convert_element_type3A_168 = arith.extui %and3A_167 : i1 to i32
      %cond3A_169 = arith.constant 0 : i32
      %cond3A_170 = arith.cmpi ne, %convert_element_type3A_168, %cond3A_169 : i32
      scf.if %cond3A_170 {
        %sub3A_223 = arith.constant 1 : i32
        %sub3A_224 = arith.subi %add3A_146, %sub3A_223 : i32
        %dma_wait3A_225 = arith.constant 0 : i32
        %dma_wait3A_226 = tpu.memref_slice %arg7[%sub3A_224, %dma_wait3A_225] : memref<160x125xi32, #tpu.memory_space<vmem>> -> memref<1x125xi32, #tpu.memory_space<vmem>>
        %dma_wait3A_227 = tpu.memref_squeeze %dma_wait3A_226 : memref<1x125xi32, #tpu.memory_space<vmem>> -> memref<125xi32, #tpu.memory_space<vmem>>
        %dma_wait3A_228 = arith.constant 0 : i32
        %dma_wait3A_229 = arith.constant 0 : i32
        %dma_wait3A_230 = tpu.memref_slice %arg16[%dma_wait3A_228, %dma_wait3A_229] : memref<10000x16xf32, #tpu.memory_space<vmem_shared>> -> memref<10000x16xf32, #tpu.memory_space<vmem_shared>>
        tpu.wait_indirect_dma semaphore(%arg19 : memref<!tpu.dma_semaphore, #tpu.memory_space<semaphore_mem>>) src(%arg13 : memref<125x16xf32, #tpu.memory_space<vmem>>) dst(%dma_wait3A_230 : memref<10000x16xf32, #tpu.memory_space<vmem_shared>>)
      } else {
      }
      %dma_wait3A_171 = arith.constant 0 : i32
      %dma_wait3A_172 = tpu.memref_slice %arg7[%add3A_146, %dma_wait3A_171] : memref<160x125xi32, #tpu.memory_space<vmem>> -> memref<1x125xi32, #tpu.memory_space<vmem>>
      %dma_wait3A_173 = tpu.memref_squeeze %dma_wait3A_172 : memref<1x125xi32, #tpu.memory_space<vmem>> -> memref<125xi32, #tpu.memory_space<vmem>>
      %dma_wait3A_174 = arith.constant 0 : i32
      %dma_wait3A_175 = arith.constant 0 : i32
      %dma_wait3A_176 = tpu.memref_slice %arg15[%dma_wait3A_174, %dma_wait3A_175] : memref<10000x64xf32, #tpu.memory_space<vmem_shared>> -> memref<10000x64xf32, #tpu.memory_space<vmem_shared>>
      tpu.wait_indirect_dma semaphore(%arg18 : memref<!tpu.dma_semaphore, #tpu.memory_space<semaphore_mem>>) src(%arg9 : memref<125x64xf32, #tpu.memory_space<vmem>>) dst(%dma_wait3A_176 : memref<10000x64xf32, #tpu.memory_space<vmem_shared>>)
      %add3A_177 = arith.constant 3 : i32
      %add3A_178 = arith.addi %add3A_146, %add3A_177 : i32
      %lt3A_179 = arith.constant 160 : i32
      %lt3A_180 = arith.cmpi slt, %add3A_178, %lt3A_179 : i32
      %convert_element_type3A_181 = arith.extui %lt3A_180 : i1 to i32
      %cond3A_182 = arith.constant 0 : i32
      %cond3A_183 = arith.cmpi ne, %convert_element_type3A_181, %cond3A_182 : i32
      scf.if %cond3A_183 {
        %add3A_223 = arith.constant 3 : i32
        %add3A_224 = arith.addi %add3A_146, %add3A_223 : i32
        %dma_start3A_225 = arith.constant 0 : i32
        %dma_start3A_226 = tpu.memref_slice %arg6[%add3A_224, %dma_start3A_225] : memref<160x125xi32, #tpu.memory_space<vmem>> -> memref<1x125xi32, #tpu.memory_space<vmem>>
        %dma_start3A_227 = tpu.memref_squeeze %dma_start3A_226 : memref<1x125xi32, #tpu.memory_space<vmem>> -> memref<125xi32, #tpu.memory_space<vmem>>
        %dma_start3A_228 = arith.constant 0 : i32
        %dma_start3A_229 = arith.constant 0 : i32
        %dma_start3A_230 = tpu.memref_slice %arg3[%dma_start3A_228, %dma_start3A_229] : memref<20000x64xf32, #tpu.memory_space<hbm>> -> memref<20000x64xf32, #tpu.memory_space<hbm>>
        tpu.enqueue_indirect_dma source(%dma_start3A_230 : memref<20000x64xf32, #tpu.memory_space<hbm>>) target(%arg9 : memref<125x64xf32, #tpu.memory_space<vmem>>) offsets(%dma_start3A_227 : memref<125xi32, #tpu.memory_space<vmem>>) semaphore(%arg17 : memref<!tpu.dma_semaphore, #tpu.memory_space<semaphore_mem>>)
      } else {
      }
      %add3A_184 = arith.constant 2 : i32
      %add3A_185 = arith.addi %add3A_106, %add3A_184 : i32
      %dma_wait3A_186 = arith.constant 0 : i32
      %dma_wait3A_187 = tpu.memref_slice %arg6[%add3A_185, %dma_wait3A_186] : memref<160x125xi32, #tpu.memory_space<vmem>> -> memref<1x125xi32, #tpu.memory_space<vmem>>
      %dma_wait3A_188 = tpu.memref_squeeze %dma_wait3A_187 : memref<1x125xi32, #tpu.memory_space<vmem>> -> memref<125xi32, #tpu.memory_space<vmem>>
      %dma_wait3A_189 = arith.constant 0 : i32
      %dma_wait3A_190 = arith.constant 0 : i32
      %dma_wait3A_191 = tpu.memref_slice %arg3[%dma_wait3A_189, %dma_wait3A_190] : memref<20000x64xf32, #tpu.memory_space<hbm>> -> memref<20000x64xf32, #tpu.memory_space<hbm>>
      tpu.wait_indirect_dma semaphore(%arg17 : memref<!tpu.dma_semaphore, #tpu.memory_space<semaphore_mem>>) src(%dma_wait3A_191 : memref<20000x64xf32, #tpu.memory_space<hbm>>) dst(%arg10 : memref<125x64xf32, #tpu.memory_space<vmem>>)
      %dma_start3A_192 = arith.constant 0 : i32
      %dma_start3A_193 = tpu.memref_slice %arg7[%add3A_185, %dma_start3A_192] : memref<160x125xi32, #tpu.memory_space<vmem>> -> memref<1x125xi32, #tpu.memory_space<vmem>>
      %dma_start3A_194 = tpu.memref_squeeze %dma_start3A_193 : memref<1x125xi32, #tpu.memory_space<vmem>> -> memref<125xi32, #tpu.memory_space<vmem>>
      %dma_start3A_195 = arith.constant 0 : i32
      %dma_start3A_196 = arith.constant 0 : i32
      %dma_start3A_197 = tpu.memref_slice %arg15[%dma_start3A_195, %dma_start3A_196] : memref<10000x64xf32, #tpu.memory_space<vmem_shared>> -> memref<10000x64xf32, #tpu.memory_space<vmem_shared>>
      tpu.enqueue_indirect_dma source(%arg10 : memref<125x64xf32, #tpu.memory_space<vmem>>) target(%dma_start3A_197 : memref<10000x64xf32, #tpu.memory_space<vmem_shared>>) offsets(%dma_start3A_194 : memref<125xi32, #tpu.memory_space<vmem>>) semaphore(%arg18 : memref<!tpu.dma_semaphore, #tpu.memory_space<semaphore_mem>>) {add = true}
      %ge3A_198 = arith.cmpi sge, %add3A_185, %mul3A_50 : i32
      %lt3A_199 = arith.cmpi slt, %add3A_185, %add3A_52 : i32
      %and3A_200 = arith.andi %ge3A_198, %lt3A_199 : i1
      %convert_element_type3A_201 = arith.extui %and3A_200 : i1 to i32
      %cond3A_202 = arith.constant 0 : i32
      %cond3A_203 = arith.cmpi ne, %convert_element_type3A_201, %cond3A_202 : i32
      scf.if %cond3A_203 {
        %dma_start3A_223 = arith.constant 0 : i32
        %dma_start3A_224 = tpu.memref_slice %arg7[%add3A_185, %dma_start3A_223] : memref<160x125xi32, #tpu.memory_space<vmem>> -> memref<1x125xi32, #tpu.memory_space<vmem>>
        %dma_start3A_225 = tpu.memref_squeeze %dma_start3A_224 : memref<1x125xi32, #tpu.memory_space<vmem>> -> memref<125xi32, #tpu.memory_space<vmem>>
        %dma_start3A_226 = arith.constant 0 : i32
        %dma_start3A_227 = arith.constant 0 : i32
        %dma_start3A_228 = tpu.memref_slice %arg16[%dma_start3A_226, %dma_start3A_227] : memref<10000x16xf32, #tpu.memory_space<vmem_shared>> -> memref<10000x16xf32, #tpu.memory_space<vmem_shared>>
        tpu.enqueue_indirect_dma source(%arg13 : memref<125x16xf32, #tpu.memory_space<vmem>>) target(%dma_start3A_228 : memref<10000x16xf32, #tpu.memory_space<vmem_shared>>) offsets(%dma_start3A_225 : memref<125xi32, #tpu.memory_space<vmem>>) semaphore(%arg19 : memref<!tpu.dma_semaphore, #tpu.memory_space<semaphore_mem>>) {add = true}
      } else {
      }
      %gt3A_204 = arith.cmpi sgt, %add3A_185, %mul3A_50 : i32
      %lt3A_205 = arith.cmpi slt, %add3A_185, %add3A_52 : i32
      %and3A_206 = arith.andi %gt3A_204, %lt3A_205 : i1
      %convert_element_type3A_207 = arith.extui %and3A_206 : i1 to i32
      %cond3A_208 = arith.constant 0 : i32
      %cond3A_209 = arith.cmpi ne, %convert_element_type3A_207, %cond3A_208 : i32
      scf.if %cond3A_209 {
        %sub3A_223 = arith.constant 1 : i32
        %sub3A_224 = arith.subi %add3A_185, %sub3A_223 : i32
        %dma_wait3A_225 = arith.constant 0 : i32
        %dma_wait3A_226 = tpu.memref_slice %arg7[%sub3A_224, %dma_wait3A_225] : memref<160x125xi32, #tpu.memory_space<vmem>> -> memref<1x125xi32, #tpu.memory_space<vmem>>
        %dma_wait3A_227 = tpu.memref_squeeze %dma_wait3A_226 : memref<1x125xi32, #tpu.memory_space<vmem>> -> memref<125xi32, #tpu.memory_space<vmem>>
        %dma_wait3A_228 = arith.constant 0 : i32
        %dma_wait3A_229 = arith.constant 0 : i32
        %dma_wait3A_230 = tpu.memref_slice %arg16[%dma_wait3A_228, %dma_wait3A_229] : memref<10000x16xf32, #tpu.memory_space<vmem_shared>> -> memref<10000x16xf32, #tpu.memory_space<vmem_shared>>
        tpu.wait_indirect_dma semaphore(%arg19 : memref<!tpu.dma_semaphore, #tpu.memory_space<semaphore_mem>>) src(%arg13 : memref<125x16xf32, #tpu.memory_space<vmem>>) dst(%dma_wait3A_230 : memref<10000x16xf32, #tpu.memory_space<vmem_shared>>)
      } else {
      }
      %dma_wait3A_210 = arith.constant 0 : i32
      %dma_wait3A_211 = tpu.memref_slice %arg7[%add3A_185, %dma_wait3A_210] : memref<160x125xi32, #tpu.memory_space<vmem>> -> memref<1x125xi32, #tpu.memory_space<vmem>>
      %dma_wait3A_212 = tpu.memref_squeeze %dma_wait3A_211 : memref<1x125xi32, #tpu.memory_space<vmem>> -> memref<125xi32, #tpu.memory_space<vmem>>
      %dma_wait3A_213 = arith.constant 0 : i32
      %dma_wait3A_214 = arith.constant 0 : i32
      %dma_wait3A_215 = tpu.memref_slice %arg15[%dma_wait3A_213, %dma_wait3A_214] : memref<10000x64xf32, #tpu.memory_space<vmem_shared>> -> memref<10000x64xf32, #tpu.memory_space<vmem_shared>>
      tpu.wait_indirect_dma semaphore(%arg18 : memref<!tpu.dma_semaphore, #tpu.memory_space<semaphore_mem>>) src(%arg10 : memref<125x64xf32, #tpu.memory_space<vmem>>) dst(%dma_wait3A_215 : memref<10000x64xf32, #tpu.memory_space<vmem_shared>>)
      %add3A_216 = arith.constant 3 : i32
      %add3A_217 = arith.addi %add3A_185, %add3A_216 : i32
      %lt3A_218 = arith.constant 160 : i32
      %lt3A_219 = arith.cmpi slt, %add3A_217, %lt3A_218 : i32
      %convert_element_type3A_220 = arith.extui %lt3A_219 : i1 to i32
      %cond3A_221 = arith.constant 0 : i32
      %cond3A_222 = arith.cmpi ne, %convert_element_type3A_220, %cond3A_221 : i32
      scf.if %cond3A_222 {
        %add3A_223 = arith.constant 3 : i32
        %add3A_224 = arith.addi %add3A_185, %add3A_223 : i32
        %dma_start3A_225 = arith.constant 0 : i32
        %dma_start3A_226 = tpu.memref_slice %arg6[%add3A_224, %dma_start3A_225] : memref<160x125xi32, #tpu.memory_space<vmem>> -> memref<1x125xi32, #tpu.memory_space<vmem>>
        %dma_start3A_227 = tpu.memref_squeeze %dma_start3A_226 : memref<1x125xi32, #tpu.memory_space<vmem>> -> memref<125xi32, #tpu.memory_space<vmem>>
        %dma_start3A_228 = arith.constant 0 : i32
        %dma_start3A_229 = arith.constant 0 : i32
        %dma_start3A_230 = tpu.memref_slice %arg3[%dma_start3A_228, %dma_start3A_229] : memref<20000x64xf32, #tpu.memory_space<hbm>> -> memref<20000x64xf32, #tpu.memory_space<hbm>>
        tpu.enqueue_indirect_dma source(%dma_start3A_230 : memref<20000x64xf32, #tpu.memory_space<hbm>>) target(%arg10 : memref<125x64xf32, #tpu.memory_space<vmem>>) offsets(%dma_start3A_227 : memref<125xi32, #tpu.memory_space<vmem>>) semaphore(%arg17 : memref<!tpu.dma_semaphore, #tpu.memory_space<semaphore_mem>>)
      } else {
      }
    }
    %scan3A_57 = arith.constant 53 : i32
    %dma_wait3A = arith.constant 159 : i32
    %dma_wait3A_58 = arith.constant 0 : i32
    %dma_wait3A_59 = tpu.memref_slice %arg6[%dma_wait3A, %dma_wait3A_58] : memref<160x125xi32, #tpu.memory_space<vmem>> -> memref<1x125xi32, #tpu.memory_space<vmem>>
    %dma_wait3A_60 = tpu.memref_squeeze %dma_wait3A_59 : memref<1x125xi32, #tpu.memory_space<vmem>> -> memref<125xi32, #tpu.memory_space<vmem>>
    %dma_wait3A_61 = arith.constant 0 : i32
    %dma_wait3A_62 = arith.constant 0 : i32
    %dma_wait3A_63 = tpu.memref_slice %arg3[%dma_wait3A_61, %dma_wait3A_62] : memref<20000x64xf32, #tpu.memory_space<hbm>> -> memref<20000x64xf32, #tpu.memory_space<hbm>>
    tpu.wait_indirect_dma semaphore(%arg17 : memref<!tpu.dma_semaphore, #tpu.memory_space<semaphore_mem>>) src(%dma_wait3A_63 : memref<20000x64xf32, #tpu.memory_space<hbm>>) dst(%arg8 : memref<125x64xf32, #tpu.memory_space<vmem>>)
    %dma_start3A_64 = arith.constant 159 : i32
    %dma_start3A_65 = arith.constant 0 : i32
    %dma_start3A_66 = tpu.memref_slice %arg7[%dma_start3A_64, %dma_start3A_65] : memref<160x125xi32, #tpu.memory_space<vmem>> -> memref<1x125xi32, #tpu.memory_space<vmem>>
    %dma_start3A_67 = tpu.memref_squeeze %dma_start3A_66 : memref<1x125xi32, #tpu.memory_space<vmem>> -> memref<125xi32, #tpu.memory_space<vmem>>
    %dma_start3A_68 = arith.constant 0 : i32
    %dma_start3A_69 = arith.constant 0 : i32
    %dma_start3A_70 = tpu.memref_slice %arg15[%dma_start3A_68, %dma_start3A_69] : memref<10000x64xf32, #tpu.memory_space<vmem_shared>> -> memref<10000x64xf32, #tpu.memory_space<vmem_shared>>
    tpu.enqueue_indirect_dma source(%arg8 : memref<125x64xf32, #tpu.memory_space<vmem>>) target(%dma_start3A_70 : memref<10000x64xf32, #tpu.memory_space<vmem_shared>>) offsets(%dma_start3A_67 : memref<125xi32, #tpu.memory_space<vmem>>) semaphore(%arg18 : memref<!tpu.dma_semaphore, #tpu.memory_space<semaphore_mem>>) {add = true}
    %le3A = arith.constant 159 : i32
    %le3A_71 = arith.cmpi sle, %mul3A_50, %le3A : i32
    %gt3A = arith.constant 159 : i32
    %gt3A_72 = arith.cmpi sgt, %add3A_52, %gt3A : i32
    %and3A = arith.andi %le3A_71, %gt3A_72 : i1
    %convert_element_type3A = arith.extui %and3A : i1 to i32
    %cond3A = arith.constant 0 : i32
    %cond3A_73 = arith.cmpi ne, %convert_element_type3A, %cond3A : i32
    scf.if %cond3A_73 {
      %dma_start3A_102 = arith.constant 159 : i32
      %dma_start3A_103 = arith.constant 0 : i32
      %dma_start3A_104 = tpu.memref_slice %arg7[%dma_start3A_102, %dma_start3A_103] : memref<160x125xi32, #tpu.memory_space<vmem>> -> memref<1x125xi32, #tpu.memory_space<vmem>>
      %dma_start3A_105 = tpu.memref_squeeze %dma_start3A_104 : memref<1x125xi32, #tpu.memory_space<vmem>> -> memref<125xi32, #tpu.memory_space<vmem>>
      %dma_start3A_106 = arith.constant 0 : i32
      %dma_start3A_107 = arith.constant 0 : i32
      %dma_start3A_108 = tpu.memref_slice %arg16[%dma_start3A_106, %dma_start3A_107] : memref<10000x16xf32, #tpu.memory_space<vmem_shared>> -> memref<10000x16xf32, #tpu.memory_space<vmem_shared>>
      tpu.enqueue_indirect_dma source(%arg13 : memref<125x16xf32, #tpu.memory_space<vmem>>) target(%dma_start3A_108 : memref<10000x16xf32, #tpu.memory_space<vmem_shared>>) offsets(%dma_start3A_105 : memref<125xi32, #tpu.memory_space<vmem>>) semaphore(%arg19 : memref<!tpu.dma_semaphore, #tpu.memory_space<semaphore_mem>>) {add = true}
    } else {
    }
    %lt3A = arith.constant 159 : i32
    %lt3A_74 = arith.cmpi slt, %mul3A_50, %lt3A : i32
    %gt3A_75 = arith.constant 159 : i32
    %gt3A_76 = arith.cmpi sgt, %add3A_52, %gt3A_75 : i32
    %and3A_77 = arith.andi %lt3A_74, %gt3A_76 : i1
    %convert_element_type3A_78 = arith.extui %and3A_77 : i1 to i32
    %cond3A_79 = arith.constant 0 : i32
    %cond3A_80 = arith.cmpi ne, %convert_element_type3A_78, %cond3A_79 : i32
    scf.if %cond3A_80 {
      %dma_wait3A_102 = arith.constant 158 : i32
      %dma_wait3A_103 = arith.constant 0 : i32
      %dma_wait3A_104 = tpu.memref_slice %arg7[%dma_wait3A_102, %dma_wait3A_103] : memref<160x125xi32, #tpu.memory_space<vmem>> -> memref<1x125xi32, #tpu.memory_space<vmem>>
      %dma_wait3A_105 = tpu.memref_squeeze %dma_wait3A_104 : memref<1x125xi32, #tpu.memory_space<vmem>> -> memref<125xi32, #tpu.memory_space<vmem>>
      %dma_wait3A_106 = arith.constant 0 : i32
      %dma_wait3A_107 = arith.constant 0 : i32
      %dma_wait3A_108 = tpu.memref_slice %arg16[%dma_wait3A_106, %dma_wait3A_107] : memref<10000x16xf32, #tpu.memory_space<vmem_shared>> -> memref<10000x16xf32, #tpu.memory_space<vmem_shared>>
      tpu.wait_indirect_dma semaphore(%arg19 : memref<!tpu.dma_semaphore, #tpu.memory_space<semaphore_mem>>) src(%arg13 : memref<125x16xf32, #tpu.memory_space<vmem>>) dst(%dma_wait3A_108 : memref<10000x16xf32, #tpu.memory_space<vmem_shared>>)
    } else {
    }
    %dma_wait3A_81 = arith.constant 159 : i32
    %dma_wait3A_82 = arith.constant 0 : i32
    %dma_wait3A_83 = tpu.memref_slice %arg7[%dma_wait3A_81, %dma_wait3A_82] : memref<160x125xi32, #tpu.memory_space<vmem>> -> memref<1x125xi32, #tpu.memory_space<vmem>>
    %dma_wait3A_84 = tpu.memref_squeeze %dma_wait3A_83 : memref<1x125xi32, #tpu.memory_space<vmem>> -> memref<125xi32, #tpu.memory_space<vmem>>
    %dma_wait3A_85 = arith.constant 0 : i32
    %dma_wait3A_86 = arith.constant 0 : i32
    %dma_wait3A_87 = tpu.memref_slice %arg15[%dma_wait3A_85, %dma_wait3A_86] : memref<10000x64xf32, #tpu.memory_space<vmem_shared>> -> memref<10000x64xf32, #tpu.memory_space<vmem_shared>>
    tpu.wait_indirect_dma semaphore(%arg18 : memref<!tpu.dma_semaphore, #tpu.memory_space<semaphore_mem>>) src(%arg8 : memref<125x64xf32, #tpu.memory_space<vmem>>) dst(%dma_wait3A_87 : memref<10000x64xf32, #tpu.memory_space<vmem_shared>>)
    %sub3A = arith.constant 1 : i32
    %sub3A_88 = arith.subi %add3A_52, %sub3A : i32
    %dma_wait3A_89 = arith.constant 0 : i32
    %dma_wait3A_90 = tpu.memref_slice %arg7[%sub3A_88, %dma_wait3A_89] : memref<160x125xi32, #tpu.memory_space<vmem>> -> memref<1x125xi32, #tpu.memory_space<vmem>>
    %dma_wait3A_91 = tpu.memref_squeeze %dma_wait3A_90 : memref<1x125xi32, #tpu.memory_space<vmem>> -> memref<125xi32, #tpu.memory_space<vmem>>
    %dma_wait3A_92 = arith.constant 0 : i32
    %dma_wait3A_93 = arith.constant 0 : i32
    %dma_wait3A_94 = tpu.memref_slice %arg16[%dma_wait3A_92, %dma_wait3A_93] : memref<10000x16xf32, #tpu.memory_space<vmem_shared>> -> memref<10000x16xf32, #tpu.memory_space<vmem_shared>>
    tpu.wait_indirect_dma semaphore(%arg19 : memref<!tpu.dma_semaphore, #tpu.memory_space<semaphore_mem>>) src(%arg13 : memref<125x16xf32, #tpu.memory_space<vmem>>) dst(%dma_wait3A_94 : memref<10000x16xf32, #tpu.memory_space<vmem_shared>>)
    %barrier3A_95 = arith.constant 0 : index
    tpu.barrier barrier_id(%barrier3A_95)
    %mul3A_96 = arith.constant 624 : i32
    %mul3A_97 = arith.muli %arg1, %mul3A_96 : i32
    "tpu.region"() ({
      %run_scoped3A_102 = tpu.sem_alloc : memref<!tpu.dma_semaphore, #tpu.memory_space<semaphore_mem>>
      %dma_start3A_103 = arith.constant 0 : i32
      %dma_start3A_104 = tpu.memref_slice %arg4[%arg0, %mul3A_97, %dma_start3A_103] : memref<2x10000x64xf32, #tpu.memory_space<hbm>> -> memref<1x624x64xf32, #tpu.memory_space<hbm>>
      %dma_start3A_105 = tpu.memref_squeeze %dma_start3A_104 : memref<1x624x64xf32, #tpu.memory_space<hbm>> -> memref<624x64xf32, #tpu.memory_space<hbm>>
      %dma_start3A_106 = arith.constant 0 : i32
      %dma_start3A_107 = tpu.memref_slice %arg15[%mul3A_97, %dma_start3A_106] : memref<10000x64xf32, #tpu.memory_space<vmem_shared>> -> memref<624x64xf32, #tpu.memory_space<vmem_shared>>
      tpu.enqueue_dma source(%dma_start3A_107 : memref<624x64xf32, #tpu.memory_space<vmem_shared>>) target(%dma_start3A_105 : memref<624x64xf32, #tpu.memory_space<hbm>>) target_semaphore(%run_scoped3A_102 : memref<!tpu.dma_semaphore, #tpu.memory_space<semaphore_mem>>)
      %dma_wait3A_108 = arith.constant 0 : i32
      %dma_wait3A_109 = tpu.memref_slice %arg4[%arg0, %mul3A_97, %dma_wait3A_108] : memref<2x10000x64xf32, #tpu.memory_space<hbm>> -> memref<1x624x64xf32, #tpu.memory_space<hbm>>
      %dma_wait3A_110 = tpu.memref_squeeze %dma_wait3A_109 : memref<1x624x64xf32, #tpu.memory_space<hbm>> -> memref<624x64xf32, #tpu.memory_space<hbm>>
      %dma_wait3A_111 = arith.constant 0 : i32
      %dma_wait3A_112 = tpu.memref_slice %arg15[%mul3A_97, %dma_wait3A_111] : memref<10000x64xf32, #tpu.memory_space<vmem_shared>> -> memref<624x64xf32, #tpu.memory_space<vmem_shared>>
      tpu.wait_dma2 semaphore(%run_scoped3A_102 : memref<!tpu.dma_semaphore, #tpu.memory_space<semaphore_mem>>) src(%dma_wait3A_112 : memref<624x64xf32, #tpu.memory_space<vmem_shared>>) dst(%dma_wait3A_110 : memref<624x64xf32, #tpu.memory_space<hbm>>)
      tpu.yield
    }) : () -> ()
    "tpu.region"() ({
      %run_scoped3A_102 = tpu.sem_alloc : memref<!tpu.dma_semaphore, #tpu.memory_space<semaphore_mem>>
      %dma_start3A_103 = arith.constant 0 : i32
      %dma_start3A_104 = tpu.memref_slice %arg5[%arg0, %mul3A_97, %dma_start3A_103] : memref<2x10000x16xf32, #tpu.memory_space<hbm>> -> memref<1x624x16xf32, #tpu.memory_space<hbm>>
      %dma_start3A_105 = tpu.memref_squeeze %dma_start3A_104 : memref<1x624x16xf32, #tpu.memory_space<hbm>> -> memref<624x16xf32, #tpu.memory_space<hbm>>
      %dma_start3A_106 = arith.constant 0 : i32
      %dma_start3A_107 = tpu.memref_slice %arg16[%mul3A_97, %dma_start3A_106] : memref<10000x16xf32, #tpu.memory_space<vmem_shared>> -> memref<624x16xf32, #tpu.memory_space<vmem_shared>>
      tpu.enqueue_dma source(%dma_start3A_107 : memref<624x16xf32, #tpu.memory_space<vmem_shared>>) target(%dma_start3A_105 : memref<624x16xf32, #tpu.memory_space<hbm>>) target_semaphore(%run_scoped3A_102 : memref<!tpu.dma_semaphore, #tpu.memory_space<semaphore_mem>>)
      %dma_wait3A_108 = arith.constant 0 : i32
      %dma_wait3A_109 = tpu.memref_slice %arg5[%arg0, %mul3A_97, %dma_wait3A_108] : memref<2x10000x16xf32, #tpu.memory_space<hbm>> -> memref<1x624x16xf32, #tpu.memory_space<hbm>>
      %dma_wait3A_110 = tpu.memref_squeeze %dma_wait3A_109 : memref<1x624x16xf32, #tpu.memory_space<hbm>> -> memref<624x16xf32, #tpu.memory_space<hbm>>
      %dma_wait3A_111 = arith.constant 0 : i32
      %dma_wait3A_112 = tpu.memref_slice %arg16[%mul3A_97, %dma_wait3A_111] : memref<10000x16xf32, #tpu.memory_space<vmem_shared>> -> memref<624x16xf32, #tpu.memory_space<vmem_shared>>
      tpu.wait_dma2 semaphore(%run_scoped3A_102 : memref<!tpu.dma_semaphore, #tpu.memory_space<semaphore_mem>>) src(%dma_wait3A_112 : memref<624x16xf32, #tpu.memory_space<vmem_shared>>) dst(%dma_wait3A_110 : memref<624x16xf32, #tpu.memory_space<hbm>>)
      tpu.yield
    }) : () -> ()
    %eq3A = arith.constant 0 : i32
    %eq3A_98 = arith.cmpi eq, %arg1, %eq3A : i32
    %convert_element_type3A_99 = arith.extui %eq3A_98 : i1 to i32
    %cond3A_100 = arith.constant 0 : i32
    %cond3A_101 = arith.cmpi ne, %convert_element_type3A_99, %cond3A_100 : i32
    scf.if %cond3A_101 {
      "tpu.region"() ({
        %run_scoped3A_102 = tpu.sem_alloc : memref<!tpu.dma_semaphore, #tpu.memory_space<semaphore_mem>>
        %dma_start3A_103 = arith.constant 9984 : i32
        %dma_start3A_104 = arith.constant 0 : i32
        %dma_start3A_105 = tpu.memref_slice %arg4[%arg0, %dma_start3A_103, %dma_start3A_104] : memref<2x10000x64xf32, #tpu.memory_space<hbm>> -> memref<1x16x64xf32, #tpu.memory_space<hbm>>
        %dma_start3A_106 = tpu.memref_squeeze %dma_start3A_105 : memref<1x16x64xf32, #tpu.memory_space<hbm>> -> memref<16x64xf32, #tpu.memory_space<hbm>>
        %dma_start3A_107 = arith.constant 9984 : i32
        %dma_start3A_108 = arith.constant 0 : i32
        %dma_start3A_109 = tpu.memref_slice %arg15[%dma_start3A_107, %dma_start3A_108] : memref<10000x64xf32, #tpu.memory_space<vmem_shared>> -> memref<16x64xf32, #tpu.memory_space<vmem_shared>>
        tpu.enqueue_dma source(%dma_start3A_109 : memref<16x64xf32, #tpu.memory_space<vmem_shared>>) target(%dma_start3A_106 : memref<16x64xf32, #tpu.memory_space<hbm>>) target_semaphore(%run_scoped3A_102 : memref<!tpu.dma_semaphore, #tpu.memory_space<semaphore_mem>>)
        %dma_wait3A_110 = arith.constant 9984 : i32
        %dma_wait3A_111 = arith.constant 0 : i32
        %dma_wait3A_112 = tpu.memref_slice %arg4[%arg0, %dma_wait3A_110, %dma_wait3A_111] : memref<2x10000x64xf32, #tpu.memory_space<hbm>> -> memref<1x16x64xf32, #tpu.memory_space<hbm>>
        %dma_wait3A_113 = tpu.memref_squeeze %dma_wait3A_112 : memref<1x16x64xf32, #tpu.memory_space<hbm>> -> memref<16x64xf32, #tpu.memory_space<hbm>>
        %dma_wait3A_114 = arith.constant 9984 : i32
        %dma_wait3A_115 = arith.constant 0 : i32
        %dma_wait3A_116 = tpu.memref_slice %arg15[%dma_wait3A_114, %dma_wait3A_115] : memref<10000x64xf32, #tpu.memory_space<vmem_shared>> -> memref<16x64xf32, #tpu.memory_space<vmem_shared>>
        tpu.wait_dma2 semaphore(%run_scoped3A_102 : memref<!tpu.dma_semaphore, #tpu.memory_space<semaphore_mem>>) src(%dma_wait3A_116 : memref<16x64xf32, #tpu.memory_space<vmem_shared>>) dst(%dma_wait3A_113 : memref<16x64xf32, #tpu.memory_space<hbm>>)
        tpu.yield
      }) : () -> ()
      "tpu.region"() ({
        %run_scoped3A_102 = tpu.sem_alloc : memref<!tpu.dma_semaphore, #tpu.memory_space<semaphore_mem>>
        %dma_start3A_103 = arith.constant 9984 : i32
        %dma_start3A_104 = arith.constant 0 : i32
        %dma_start3A_105 = tpu.memref_slice %arg5[%arg0, %dma_start3A_103, %dma_start3A_104] : memref<2x10000x16xf32, #tpu.memory_space<hbm>> -> memref<1x16x16xf32, #tpu.memory_space<hbm>>
        %dma_start3A_106 = tpu.memref_squeeze %dma_start3A_105 : memref<1x16x16xf32, #tpu.memory_space<hbm>> -> memref<16x16xf32, #tpu.memory_space<hbm>>
        %dma_start3A_107 = arith.constant 9984 : i32
        %dma_start3A_108 = arith.constant 0 : i32
        %dma_start3A_109 = tpu.memref_slice %arg16[%dma_start3A_107, %dma_start3A_108] : memref<10000x16xf32, #tpu.memory_space<vmem_shared>> -> memref<16x16xf32, #tpu.memory_space<vmem_shared>>
        tpu.enqueue_dma source(%dma_start3A_109 : memref<16x16xf32, #tpu.memory_space<vmem_shared>>) target(%dma_start3A_106 : memref<16x16xf32, #tpu.memory_space<hbm>>) target_semaphore(%run_scoped3A_102 : memref<!tpu.dma_semaphore, #tpu.memory_space<semaphore_mem>>)
        %dma_wait3A_110 = arith.constant 9984 : i32
        %dma_wait3A_111 = arith.constant 0 : i32
        %dma_wait3A_112 = tpu.memref_slice %arg5[%arg0, %dma_wait3A_110, %dma_wait3A_111] : memref<2x10000x16xf32, #tpu.memory_space<hbm>> -> memref<1x16x16xf32, #tpu.memory_space<hbm>>
        %dma_wait3A_113 = tpu.memref_squeeze %dma_wait3A_112 : memref<1x16x16xf32, #tpu.memory_space<hbm>> -> memref<16x16xf32, #tpu.memory_space<hbm>>
        %dma_wait3A_114 = arith.constant 9984 : i32
        %dma_wait3A_115 = arith.constant 0 : i32
        %dma_wait3A_116 = tpu.memref_slice %arg16[%dma_wait3A_114, %dma_wait3A_115] : memref<10000x16xf32, #tpu.memory_space<vmem_shared>> -> memref<16x16xf32, #tpu.memory_space<vmem_shared>>
        tpu.wait_dma2 semaphore(%run_scoped3A_102 : memref<!tpu.dma_semaphore, #tpu.memory_space<semaphore_mem>>) src(%dma_wait3A_116 : memref<16x16xf32, #tpu.memory_space<vmem_shared>>) dst(%dma_wait3A_113 : memref<16x16xf32, #tpu.memory_space<hbm>>)
        tpu.yield
      }) : () -> ()
    } else {
    }
    return
  }
}

module attributes {stable_mosaic.version = 14 : i64} {
  func.func @_tc_body(%arg0: memref<2x10000x64xf32, #tpu.memory_space<vmem>>, %arg1: memref<2x10000x16xf32, #tpu.memory_space<vmem>>, %arg2: memref<10000x128xf32, #tpu.memory_space<vmem>>, %arg3: memref<128x128xf32, #tpu.memory_space<vmem>>, %arg4: memref<1x128xf32, #tpu.memory_space<vmem>>, %arg5: memref<128x128xf32, #tpu.memory_space<vmem>>, %arg6: memref<10000x128xf32, #tpu.memory_space<vmem>>) attributes {dimension_semantics = [], scalar_prefetch = 0 : i64, scratch_operands = 0 : i64, tpu.core_type = #tpu.core_type<tc>} {
    %get3A = arith.constant 0 : index
    %get3A_0 = arith.constant 0 : index
    %get3A_1 = arith.constant 0 : index
    %get3A_2 = vector.load %arg1[%get3A, %get3A_0, %get3A_1] : memref<2x10000x16xf32, #tpu.memory_space<vmem>>, vector<1x10000x1xf32>
    %get3A_3 = vector.shape_cast %get3A_2 : vector<1x10000x1xf32> to vector<10000x1xf32>
    %get3A_4 = arith.constant 1 : index
    %get3A_5 = arith.constant 0 : index
    %get3A_6 = arith.constant 0 : index
    %get3A_7 = vector.load %arg1[%get3A_4, %get3A_5, %get3A_6] : memref<2x10000x16xf32, #tpu.memory_space<vmem>>, vector<1x10000x1xf32>
    %get3A_8 = vector.shape_cast %get3A_7 : vector<1x10000x1xf32> to vector<10000x1xf32>
    %add3A = arith.addf %get3A_3, %get3A_8 : vector<10000x1xf32>
    %get3A_9 = arith.constant 0 : index
    %get3A_10 = arith.constant 0 : index
    %get3A_11 = arith.constant 0 : index
    %get3A_12 = vector.load %arg0[%get3A_9, %get3A_10, %get3A_11] : memref<2x10000x64xf32, #tpu.memory_space<vmem>>, vector<1x10000x64xf32>
    %get3A_13 = vector.shape_cast %get3A_12 : vector<1x10000x64xf32> to vector<10000x64xf32>
    %get3A_14 = arith.constant 1 : index
    %get3A_15 = arith.constant 0 : index
    %get3A_16 = arith.constant 0 : index
    %get3A_17 = vector.load %arg0[%get3A_14, %get3A_15, %get3A_16] : memref<2x10000x64xf32, #tpu.memory_space<vmem>>, vector<1x10000x64xf32>
    %get3A_18 = vector.shape_cast %get3A_17 : vector<1x10000x64xf32> to vector<10000x64xf32>
    %concatenate3A = tpu.concatenate %get3A_13, %get3A_18 in 1 : vector<10000x64xf32>, vector<10000x64xf32> -> vector<10000x128xf32>
    %max3A = arith.constant 1.000000e+00 : f32
    %max3A_19 = vector.broadcast %max3A : f32 to vector<10000x1xf32>
    %max3A_20 = arith.maximumf %add3A, %max3A_19 : vector<10000x1xf32>
    %div3A = vector.broadcast %max3A_20 : vector<10000x1xf32> to vector<10000x128xf32>
    %div3A_21 = arith.divf %concatenate3A, %div3A : vector<10000x128xf32>
    %get3A_22 = arith.constant 0 : index
    %get3A_23 = arith.constant 0 : index
    %get3A_24 = vector.load %arg3[%get3A_22, %get3A_23] : memref<128x128xf32, #tpu.memory_space<vmem>>, vector<128x128xf32>
    %dot_general3A = arith.constant dense<0.000000e+00> : vector<10000x128xf32>
    %dot_general3A_25 = tpu.matmul %div3A_21, %get3A_24, %dot_general3A {dimension_numbers = #tpu.dot_dimension_numbers<[1], [0], [0], [1], [0, 0, 1, 1], [], []>, transpose_lhs_hint = false} : vector<10000x128xf32>, vector<128x128xf32>, vector<10000x128xf32> -> vector<10000x128xf32>
    %get3A_26 = arith.constant 0 : index
    %get3A_27 = arith.constant 0 : index
    %get3A_28 = vector.load %arg4[%get3A_26, %get3A_27] : memref<1x128xf32, #tpu.memory_space<vmem>>, vector<1x128xf32>
    %add3A_29 = vector.broadcast %get3A_28 : vector<1x128xf32> to vector<10000x128xf32>
    %add3A_30 = arith.addf %dot_general3A_25, %add3A_29 : vector<10000x128xf32>
    %get3A_31 = arith.constant 0 : index
    %get3A_32 = arith.constant 0 : index
    %get3A_33 = vector.load %arg2[%get3A_31, %get3A_32] : memref<10000x128xf32, #tpu.memory_space<vmem>>, vector<10000x128xf32>
    %get3A_34 = arith.constant 0 : index
    %get3A_35 = arith.constant 0 : index
    %get3A_36 = vector.load %arg5[%get3A_34, %get3A_35] : memref<128x128xf32, #tpu.memory_space<vmem>>, vector<128x128xf32>
    %dot_general3A_37 = arith.constant dense<0.000000e+00> : vector<10000x128xf32>
    %dot_general3A_38 = tpu.matmul %get3A_33, %get3A_36, %dot_general3A_37 {dimension_numbers = #tpu.dot_dimension_numbers<[1], [0], [0], [1], [0, 0, 1, 1], [], []>, transpose_lhs_hint = false} : vector<10000x128xf32>, vector<128x128xf32>, vector<10000x128xf32> -> vector<10000x128xf32>
    %add3A_39 = arith.addf %add3A_30, %dot_general3A_38 : vector<10000x128xf32>
    %max3A_40 = arith.constant 0.000000e+00 : f32
    %max3A_41 = vector.broadcast %max3A_40 : f32 to vector<10000x128xf32>
    %max3A_42 = arith.maximumf %add3A_39, %max3A_41 : vector<10000x128xf32>
    %swap3A = arith.constant 0 : index
    %swap3A_43 = arith.constant 0 : index
    %swap3A_44 = vector.load %arg6[%swap3A, %swap3A_43] : memref<10000x128xf32, #tpu.memory_space<vmem>>, vector<10000x128xf32>
    tpu.vector_store %arg6[%swap3A, %swap3A_43], %max3A_42 {strides = array<i32>} : memref<10000x128xf32, #tpu.memory_space<vmem>>, vector<10000x128xf32>,
    return
  }
}

module attributes {stable_mosaic.version = 14 : i64} {
  func.func @_tc_body(%arg0: memref<2x10000x64xf32, #tpu.memory_space<vmem>>, %arg1: memref<2x10000x16xf32, #tpu.memory_space<vmem>>, %arg2: memref<10000x128xf32, #tpu.memory_space<vmem>>, %arg3: memref<128x128xf32, #tpu.memory_space<vmem>>, %arg4: memref<1x128xf32, #tpu.memory_space<vmem>>, %arg5: memref<128x128xf32, #tpu.memory_space<vmem>>, %arg6: memref<10000x128xf32, #tpu.memory_space<vmem>>) attributes {dimension_semantics = [], scalar_prefetch = 0 : i64, scratch_operands = 0 : i64, tpu.core_type = #tpu.core_type<tc>} {
    %get3A = arith.constant 0 : index
    %get3A_0 = arith.constant 0 : index
    %get3A_1 = arith.constant 0 : index
    %get3A_2 = vector.load %arg1[%get3A, %get3A_0, %get3A_1] : memref<2x10000x16xf32, #tpu.memory_space<vmem>>, vector<1x10000x1xf32>
    %get3A_3 = vector.shape_cast %get3A_2 : vector<1x10000x1xf32> to vector<10000x1xf32>
    %get3A_4 = arith.constant 1 : index
    %get3A_5 = arith.constant 0 : index
    %get3A_6 = arith.constant 0 : index
    %get3A_7 = vector.load %arg1[%get3A_4, %get3A_5, %get3A_6] : memref<2x10000x16xf32, #tpu.memory_space<vmem>>, vector<1x10000x1xf32>
    %get3A_8 = vector.shape_cast %get3A_7 : vector<1x10000x1xf32> to vector<10000x1xf32>
    %add3A = arith.addf %get3A_3, %get3A_8 : vector<10000x1xf32>
    %get3A_9 = arith.constant 0 : index
    %get3A_10 = arith.constant 0 : index
    %get3A_11 = arith.constant 0 : index
    %get3A_12 = vector.load %arg0[%get3A_9, %get3A_10, %get3A_11] : memref<2x10000x64xf32, #tpu.memory_space<vmem>>, vector<1x10000x64xf32>
    %get3A_13 = vector.shape_cast %get3A_12 : vector<1x10000x64xf32> to vector<10000x64xf32>
    %get3A_14 = arith.constant 1 : index
    %get3A_15 = arith.constant 0 : index
    %get3A_16 = arith.constant 0 : index
    %get3A_17 = vector.load %arg0[%get3A_14, %get3A_15, %get3A_16] : memref<2x10000x64xf32, #tpu.memory_space<vmem>>, vector<1x10000x64xf32>
    %get3A_18 = vector.shape_cast %get3A_17 : vector<1x10000x64xf32> to vector<10000x64xf32>
    %concatenate3A = tpu.concatenate %get3A_13, %get3A_18 in 1 : vector<10000x64xf32>, vector<10000x64xf32> -> vector<10000x128xf32>
    %max3A = arith.constant 1.000000e+00 : f32
    %max3A_19 = vector.broadcast %max3A : f32 to vector<10000x1xf32>
    %max3A_20 = arith.maximumf %add3A, %max3A_19 : vector<10000x1xf32>
    %div3A = vector.broadcast %max3A_20 : vector<10000x1xf32> to vector<10000x128xf32>
    %div3A_21 = arith.divf %concatenate3A, %div3A : vector<10000x128xf32>
    %get3A_22 = arith.constant 0 : index
    %get3A_23 = arith.constant 0 : index
    %get3A_24 = vector.load %arg3[%get3A_22, %get3A_23] : memref<128x128xf32, #tpu.memory_space<vmem>>, vector<128x128xf32>
    %dot_general3A = arith.constant dense<0.000000e+00> : vector<10000x128xf32>
    %dot_general3A_25 = tpu.matmul %div3A_21, %get3A_24, %dot_general3A {dimension_numbers = #tpu.dot_dimension_numbers<[1], [0], [0], [1], [0, 0, 1, 1], [], []>, transpose_lhs_hint = false} : vector<10000x128xf32>, vector<128x128xf32>, vector<10000x128xf32> -> vector<10000x128xf32>
    %get3A_26 = arith.constant 0 : index
    %get3A_27 = arith.constant 0 : index
    %get3A_28 = vector.load %arg4[%get3A_26, %get3A_27] : memref<1x128xf32, #tpu.memory_space<vmem>>, vector<1x128xf32>
    %add3A_29 = vector.broadcast %get3A_28 : vector<1x128xf32> to vector<10000x128xf32>
    %add3A_30 = arith.addf %dot_general3A_25, %add3A_29 : vector<10000x128xf32>
    %get3A_31 = arith.constant 0 : index
    %get3A_32 = arith.constant 0 : index
    %get3A_33 = vector.load %arg2[%get3A_31, %get3A_32] : memref<10000x128xf32, #tpu.memory_space<vmem>>, vector<10000x128xf32>
    %get3A_34 = arith.constant 0 : index
    %get3A_35 = arith.constant 0 : index
    %get3A_36 = vector.load %arg5[%get3A_34, %get3A_35] : memref<128x128xf32, #tpu.memory_space<vmem>>, vector<128x128xf32>
    %dot_general3A_37 = arith.constant dense<0.000000e+00> : vector<10000x128xf32>
    %dot_general3A_38 = tpu.matmul %get3A_33, %get3A_36, %dot_general3A_37 {dimension_numbers = #tpu.dot_dimension_numbers<[1], [0], [0], [1], [0, 0, 1, 1], [], []>, transpose_lhs_hint = false} : vector<10000x128xf32>, vector<128x128xf32>, vector<10000x128xf32> -> vector<10000x128xf32>
    %add3A_39 = arith.addf %add3A_30, %dot_general3A_38 : vector<10000x128xf32>
    %swap3A = arith.constant 0 : index
    %swap3A_40 = arith.constant 0 : index
    %swap3A_41 = vector.load %arg6[%swap3A, %swap3A_40] : memref<10000x128xf32, #tpu.memory_space<vmem>>, vector<10000x128xf32>
    tpu.vector_store %arg6[%swap3A, %swap3A_40], %add3A_39 {strides = array<i32>} : memref<10000x128xf32, #tpu.memory_space<vmem>>, vector<10000x128xf32>,
    return
  }
}

</mosaic_0001>

<sc_bundles>
// kernel: sc_sage_agg.3.cloned.1.call-start
scs
__scs_entry_jumppad:
0x0: {  	(pc) =	sbr.rel $0x88, $3  }
0x1: {  	(tag) =	ssettag $0x0;
	lr =	simm.s32 $0x1  }
0x2: {  	[smem:$0x3F99] =	sst lr;
	_ =	strace $0xD0000000  }
0x3: {  	_ = 	snop  }
0x4: {  	_ = 	snop  }
0x5: {  	_ = 	snop  }
0x6: {  	_ = 	snop  }
0x7: {  	_ = 	snop  }
__scs_overlays_trampoline_lowered:
0x8: {  	[smem:$0x3FA8] =	sst s0  }
0x9: {  	[smem:$0x3FA9] =	sst s1  }
0xa: {  	[smem:$0x3FAA] =	sst s2  }
0xb: {  	[smem:$0x3FAB] =	sst s3  }
0xc: {  	[smem:$0x3FAC] =	sst s4  }
0xd: {  	[smem:$0x3FAD] =	sst s5  }
0xe: {  	[smem:$0x3FAE] =	sst s6  }
0xf: {  	[smem:$0x3FAF] =	sst s7  }
0x10: {  	[smem:$0x3FB0] =	sst s8  }
0x11: {  	[smem:$0x3FB1] =	sst s9;
	s0 =	simm.s32 @!p0 $0x0  }
0x12: {  	s1 =	sld [smem:$0x3F97];
	s0 =	simm.s32 @p0 $0x1  }
0x13: {  	[smem:$0x3FB2] =	sst s0;
	s0 =	simm.s32 @!p1 $0x0  }
0x14: {  	s2 =	sld [smem:$0x3F96];
	s0 =	simm.s32 @p1 $0x1  }
0x15: {  	[smem:$0x3FB3] =	sst s0;
	s0 =	simm.s32 @!p2 $0x0  }
0x16: {  	s3 =	sld [smem:$0x3FDB];
	s0 =	simm.s32 @p2 $0x1  }
0x17: {  	s4 =	simm.s32 $0x1BF5;
	[smem:$0x3FB5] =	sst s0  }
0x18: {  	s0 =	sld [smem:$0x3F98];
	_ =	swait.ge [sflag:s4], $0x0  }
0x19: {  	s7 =	sld [smem:$0x3F99]  }
0x1a: {  	s8 =	sadd.s32 $0xFFFFE003, lr  }
0x1b: {  	s9 =	sadd.s32 $0xFFFFFEF7, lr;
	s5 =	simm.s32 $0xFFFFFFFF;
	p2 =	slt.u32 s8, $0xFFFFF086  }
0x1c: {  	p1 =	slt.u32 s9, $0xF7A;
	s5 =	simm.s32 @!p2 $0x0  }
0x1d: {  	s5 =	simm.s32 @p1 $0x1;
	p0 =	seq.s32 s7, s2  }
0x1e: {  	s7 =	smul.u32 @!p0 $0xF7A, s2;
	p2 =	seq.s32 @!p0 s5, $0x0  }
0x1f: {  	s9 =	smul.u32 $0xF7A, s1;
	s8 =	simm.s32 @!p0 $0x1BF5;
	p2 =	por !p2, p0  }
0x20: {  	[sflag:s8] =	ssyncset.s32 @!p0 $0xFFFFF086;
	s6 =	sadd.s32 @!p0 s3, s7;
	s7 =	simm.s32 @!p0 $0x108  }
0x21: {  	s3 =	sadd.s32 s3, s9;
	s6 =	sadd.s32 @!p0 $0x88, s6;
	s7 =	simm.s32 @p2 $0x1082  }
0x22: {  	[simem:s7], [sflag:s8] =	dma.local @!p0 [hbm:s6], $0xF7A  }
0x23: {  	s9 =	sor.u32 $0xD0000000, s2;
	s6 =	simm.s32 $0x108;
	_ =	swait.ge @!p0 [sflag:s8], $0x0  }
0x24: {  	s3 =	sadd.s32 $0x88, s3;
	s6 =	simm.s32 @!p1 $0x1082;
	[sflag:s4] =	ssyncset.s32 $0xFFFFF086  }
0x25: {  	[simem:s6], [sflag:s4] =	dma.local [hbm:s3], $0xF7A  }
0x26: {  	[smem:$0x3F99] =	sst s1;
	(tag) =	ssettag s2;
	_ =	strace s9  }
0x27: {  	s1 =	sld [smem:$0x3FA9]  }
0x28: {  	s2 =	sld [smem:$0x3FAA]  }
0x29: {  	s4 =	sld [smem:$0x3FAC]  }
0x2a: {  	p0 =	seq.s32 s5, $0x0;
	s5 =	sld [smem:$0x3FAD]  }
0x2b: {  	s6 =	sld [smem:$0x3FAE]  }
0x2c: {  	s7 =	sld [smem:$0x3FAF]  }
0x2d: {  	s3 =	simm.s32 $0x108;
	s8 =	sld [smem:$0x3FB0]  }
0x2e: {  	s3 =	simm.s32 @!p0 $0x1082;
	s9 =	sld [smem:$0x3FB1]  }
0x2f: {  	lr =	sadd.s32 s0, s3;
	s0 =	sld [smem:$0x3FA8]  }
0x30: {  	s3 =	sld [smem:$0x3FAB]  }
0x31: {  	[smem:$0x3FB4] =	sst s10  }
0x32: {  	s10 =	sld [smem:$0x3FB2];
	_ =	sdelay $0x3  }
0x33: {  	p0 =	seq.s32 s10, $0x1;
	s10 =	sld [smem:$0x3FB4];
	_ =	sdelay $0x3  }
0x34: {  	[smem:$0x3FB4] =	sst s10  }
0x35: {  	s10 =	sld [smem:$0x3FB3];
	_ =	sdelay $0x3  }
0x36: {  	p1 =	seq.s32 s10, $0x1;
	s10 =	sld [smem:$0x3FB4];
	_ =	sdelay $0x3  }
0x37: {  	[smem:$0x3FB4] =	sst s10  }
0x38: {  	s10 =	sld [smem:$0x3FB5]  }
0x39: {  	_ = 	snop;
	(pc) =	sbr.ind lr, $3  }
0x3a: {  	_ = 	snop  }
0x3b: {  	_ = 	snop  }
0x3c: {  	p2 =	seq.s32 s10, $0x1;
	s10 =	sld [smem:$0x3FB4]  }
0x3d: {  	_ =	shalt  }
0x3e: {  	_ =	shalt  }
0x3f: {  	_ =	shalt  }
0x40: {  	_ =	shalt  }
0x41: {  	_ =	shalt  }
0x42: {  	_ =	shalt  }
0x43: {  	_ =	shalt  }
0x44: {  	_ =	shalt  }
0x45: {  	_ =	shalt  }
0x46: {  	_ =	shalt  }
0x47: {  	_ =	shalt  }
0x48: {  	_ =	shalt  }
0x49: {  	_ =	shalt  }
0x4a: {  	_ =	shalt  }
0x4b: {  	_ =	shalt  }
0x4c: {  	_ =	shalt  }
0x4d: {  	_ =	shalt  }
0x4e: {  	_ =	shalt  }
0x4f: {  	_ =	shalt  }
0x50: {  	_ =	shalt  }
0x51: {  	_ =	shalt  }
0x52: {  	_ =	shalt  }
0x53: {  	_ =	shalt  }
0x54: {  	_ =	shalt  }
0x55: {  	_ =	shalt  }
0x56: {  	_ =	shalt  }
0x57: {  	_ =	shalt  }
0x58: {  	_ =	shalt  }
0x59: {  	_ =	shalt  }
0x5a: {  	_ =	shalt  }
0x5b: {  	_ =	shalt  }
0x5c: {  	_ =	shalt  }
0x5d: {  	_ =	shalt  }
0x5e: {  	_ =	shalt  }
0x5f: {  	_ =	shalt  }
0x60: {  	_ =	shalt  }
0x61: {  	_ =	shalt  }
0x62: {  	_ =	shalt  }
0x63: {  	_ =	shalt  }
0x64: {  	_ =	shalt  }
0x65: {  	_ =	shalt  }
0x66: {  	_ =	shalt  }
0x67: {  	_ =	shalt  }
0x68: {  	_ =	shalt  }
0x69: {  	_ =	shalt  }
0x6a: {  	_ =	shalt  }
0x6b: {  	_ =	shalt  }
0x6c: {  	_ =	shalt  }
0x6d: {  	_ =	shalt  }
0x6e: {  	_ =	shalt  }
0x6f: {  	_ =	shalt  }
0x70: {  	_ =	shalt  }
0x71: {  	_ =	shalt  }
0x72: {  	_ =	shalt  }
0x73: {  	_ =	shalt  }
0x74: {  	_ =	shalt  }
0x75: {  	_ =	shalt  }
0x76: {  	_ =	shalt  }
0x77: {  	_ =	shalt  }
0x78: {  	_ =	shalt  }
0x79: {  	_ =	shalt  }
0x7a: {  	_ =	shalt  }
0x7b: {  	_ =	shalt  }
0x7c: {  	_ =	shalt  }
0x7d: {  	_ =	shalt  }
0x7e: {  	_ =	shalt  }
0x7f: {  	_ =	shalt  }
0x80: {  	_ =	shalt  }
0x81: {  	_ =	shalt  }
0x82: {  	_ =	shalt  }
0x83: {  	_ =	shalt  }
0x84: {  	_ =	shalt  }
0x85: {  	_ =	shalt  }
0x86: {  	_ =	shalt  }
0x87: {  	_ =	shalt  }
.Lfunc_end0:
.L_simem_size_0:
called_computation.1_lowered:
.L_overlay_start_0:
0x88: {  	s2 =	sld [smem:$0x3FD9]  }
0x89: {  	s3 =	sld [smem:$0x3FFE];
	_ =	sdelay $0x1  }
0x8a: {  	s1 =	srdreg.scid  }
0x8b: {  	s0 =	sand.u32 $0x1, s1  }
0x8c: {  	s17 =	sshll.u32 s0, $0xA;
	s2 =	sadd.s32 s3, s2  }
0x8d: {  	s2 =	sadd.s32 s2, s17  }
0x8e: {  	[smem:$0x3FC0] =	sst s2  }
0x8f: {  	_ = 	snop  }
0x90: {  	s2 =	sld [smem:$0x3FD0];
	(tm) =	ssettm $0x1  }
0x91: {  	s18 =	sld [smem:$0x3FFB];
	_ =	sdelay $0x3  }
0x92: {  	_ =	strace s18  }
0x93: {  	s3 =	sld [smem:$0x3FFC];
	_ =	sdelay $0x3  }
0x94: {  	_ =	strace s3  }
0x95: {  	s3 =	sld [smem:$0x3FFD];
	_ =	sdelay $0x3  }
0x96: {  	_ =	strace s3  }
0x97: {  	_ =	strace $0x8FFFFFFF  }
0x98: {  	s19 =	sld [smem:$0x3FDB];
	_ =	sdelay $0x1  }
0x99: {  	s4 =	simm.s32 $_scs_section_size  }
0x9a: {  	s5 =	simm.s32 $_size__tile_overlayer_lowered;
	s6 =	simm.s32 $_tile_overlayer_lowered  }
0x9b: {  	s22 =	simm.s32 $0x1BFF;
	s21 =	sshll.u32 s6, $0x1;
	s3 =	sadd.s32 s4, s19  }
0x9c: {  	s7 =	simm.s32 $0x0;
	s20 =	sshll.u32 s5, $0x1;
	s5 =	sadd.s32 s21, s3  }
0x9d: {  	[timem:s7], [sflag:s22] =	dma.local [hbm:s5], s20  }
0x9e: {  	_ =	swait.ge [sflag:s22], s20  }
0x9f: {  	s4 =	ssub.s32 $0x0, s20;
	[sflag:s22] =	ssyncset.done $0x0  }
0xa0: {  	[sflag:s22] =	ssyncadd.s32 s4;
	_ =	sdelay $0x1  }
0xa1: {  	s23 =	simm.s32 $0x1B8B  }
0xa2: {  	_ =	swait.ge [sflag:s23], $0x1  }
0xa3: {  	[sflag:s23] =	ssyncset.done $0x0  }
0xa4: {  	s25 =	simm.s32 $0x1B8E;
	s24 =	sld [smem:$0x3FFE];
	[sflag:s23] =	ssyncadd.s32 $0xFFFFFFFF  }
0xa5: {  	s26 =	simm.s32 $execute0_lowered;
	[smem:$0x3FD2] =	sst s25  }
0xa6: {  	s5 =	sshll.u32 s26, $0x1;
	_ =	strace $0x80000049;
	[dreg:$0x1] =	wrdreg $0xFFFFFFFF  }
0xa7: {  	s28 =	simm.s32 $_size_execute0_lowered;
	s3 =	sadd.s32 s3, s5;
	[dreg:$0x0] =	wrdreg $0x0  }
0xa8: {  	s5 =	sshll.u32 s28, $0x1;
	[dreg:$0x2] =	wrdreg s3  }
0xa9: {  	[dreg:$0x3] =	wrdreg s5  }
0xaa: {  	[dreg:$0x4] =	wrdreg $0xC0  }
0xab: {  	_ =	task [dreg:s7], $0x5FFFF  }
0xac: {  	[dreg:$0x1] =	wrdreg $0xFFFFFFFF  }
0xad: {  	[dreg:$0x0] =	wrdreg $0x60  }
0xae: {  	[dreg:$0x2] =	wrdreg s24  }
0xaf: {  	[dreg:$0x3] =	wrdreg s2  }
0xb0: {  	[dreg:$0x4] =	wrdreg $0x13C400  }
0xb1: {  	[dreg:$0x5] =	wrdreg $0x9  }
0xb2: {  	_ =	task.clear_ibuf [dreg:s7], $0x6FFFF;
	_ =	strace $0x90000049  }
0xb3: {  	s29 =	simm.s32 $0x9;
	_ =	strace $0x8000004B  }
0xb4: {  	_ =	swait.ge [sflag:s29], $0x1  }
0xb5: {  	[sflag:s29] =	ssyncadd.s32 $0xFFFFFFFF  }
0xb6: {  	_ =	strace $0x9000004B  }
0xb7: {  	_ =	sfence  }
0xb8: {  	s30 =	sld [smem:$0x0];
	_ =	sdelay $0x2  }
0xb9: {  	s31 =	sshll.u32 s1, $0xD;
	s1 =	sshrl.u32 s1, $0x2  }
0xba: {  	s3 =	sand.u32 $0x4000, s31;
	s1 =	sadd.s32 s1, s30  }
0xbb: {  	s0 =	sor.u32 s3, s0;
	s1 =	sshll.u32 s1, $0x11  }
0xbc: {  	s0 =	sor.u32 s1, s0  }
0xbd: {  	s0 =	sadd.s32 $0x8F2B, s0  }
0xbe: {  	[sflag:s0] =	ssyncadd.remote.s32 $0x1  }
0xbf: {  	_ =	sfence.sel $0xFFFF  }
0xc0: {  	[dreg:$0x0] =	wrdreg $0xFFFFFFFF;
	(pc) =	sbr.abs _section_cstart, $3  }
0xc1: {  	[dreg:$0x1] =	wrdreg $0xFFFFFFFF  }
0xc2: {  	_ =	task.clear_ibuf [dreg:s7], $0x2FFFF;
	_ =	strace $0x9FFFFFFF  }
0xc3: {  	(tm) =	ssettm $0x7FFFFFFF  }
tec
execute0_lowered:
.L_overlay_start_1:
0x0: {  	(tag) =	ssettag $0x1  }
0x1: {  	s0 =	rddreg [dreg:$0x0]  }
0x2: {  	s1 =	rddreg [dreg:$0x1]  }
0x3: {  	s2 =	rddreg [dreg:$0x2];
	s3 =	simm.s32 $0x0;
	s17 =	stileid.u32  }
0x4: {  	s4 =	srdreg.scid;
	s16 =	simm.s32 $0x3;
	s18 =	simm.s32 $0x7D  }
0x5: {  	s19 =	simm.s32 $0xA000;
	s21 =	simm.s32 $0xBF40;
	s23 =	simm.s32 $0xDE80  }
0x6: {  	s28 =	simm.s32 $0xFDC0;
	s29 =	simm.s32 $0x1;
	s30 =	simm.s32 $0x2  }
0x7: {  	s31 =	simm.s32 $0x9E00;
	[smem:$0x7FF] =	sst s3;
	s5 =	smul.u32 $0x27100, s17  }
0x8: {  	s11 =	sadd.s32 $0x1E00, s0;
	s0 =	sadd.s32 $0x6E000, s0;
	s12 =	smul.u32 $0x5000, s17  }
0x9: {  	s4 =	sand.u32 $0x1, s4;
	s13 =	smul.u32 $0x9C00, s17;
	p0 =	sne.s32 s17, $0x0  }
0xa: {  	s17 =	simm.s32 $0x9F80;
	_ =	strace $0x8000004A;
	s8 =	smul.u32 $0x50000, s4  }
0xb: {  	s6 =	ssub.s32 $0x2, s4;
	s4 =	smul.u32 $0x9C400, s4;
	s5 =	sshrl.u32 s5, $0x2  }
0xc: {  	s7 =	sshrl.u32 s6, $0x1;
	s26 =	sadd.s32 s13, s2;
	s5 =	sadd.s32 s5, s2  }
0xd: {  	s14 =	ssub.s32 s6, s7;
	s10 =	sadd.s32 s12, s8;
	s12 =	sshrl.u32 s12, $0x3  }
0xe: {  	s15 =	sadd.s32 s13, s4;
	s4 =	sshrl.u32 s4, $0x3;
	s24 =	sshrl.u32 s26, $0x3  }
0xf: {  	s6 =	sadd.s32 $0x1F40, s5;
	s7 =	sadd.s32 $0x3E80, s5;
	s8 =	sadd.s32 $0x5DC0, s5  }
0x10: {  	s9 =	sadd.s32 $0x7D00, s5;
	s10 =	sshrl.u32 s10, $0x3;
	s25 =	sshrl.u32 s15, $0x3  }
0x11: {  	s14 =	smax.u32 s14, $0x1;
	s15 =	simm.s32 $0x11D00;
	s10 =	sadd.s32 s11, s10  }
0x12: {  	s11 =	sadd.s32 s11, s12;
	s12 =	sadd.s32 s0, s25;
	s0 =	sadd.s32 s0, s4  }
0x13: {  	s4 =	simm.s32 $0x9F00;
	s13 =	sadd.s32 $0x13800, s0;
	s0 =	sadd.s32 $0x9C000, s2  }
0x14: {  	v0 =	vimm.f32 $0.0e+00;
	s11 =	sadd.s32 $0x14000, s11;
	s25 =	sshrl.u32 @!p0 s0, $0x3;
	s0 =	simm.s32 $0x9E80  }
.LBB2_1:
0x15: {  	s22 =	simm.s32 $0x100;
	s20 =	simm.s32 $0x0  }
.LBB2_2:
0x16: {  	p1 =	sne.s32 s22, $0x7C00;
	[tilespmem:s20+$0x11D30] =	vst v0;
	s26 =	smov.u32 s22;
	s22 =	sadd.s32 $0x100, s22  }
.Ltmp0:
0x17: {  	[tilespmem:s20+$0x11D20] =	vst v0;
	(pc) =	sbr.rel @p1 .LBB2_2-.Ltmp0, $3  }
0x18: {  	[tilespmem:s20+$0x11D00] =	vst v0  }
0x19: {  	[tilespmem:s20+$0x11D10] =	vst v0;
	_ =	sdelay $0x1  }
0x1a: {  	s20 =	sshra.s32 s26, $0x2  }
0x1b: {  	[tilespmem:s20+$0x11D30] =	vst v0  }
0x1c: {  	[tilespmem:s20+$0x11D20] =	vst v0  }
0x1d: {  	[tilespmem:s20+$0x11D00] =	vst v0  }
0x1e: {  	[tilespmem:s20+$0x11D10] =	vst v0  }
0x1f: {  	[spmem:s5] =	stream.linear.scatter [tilespmem:s15], [sflag:$0x3], $0x1F40, $0x38;
	[tilespmem:$0x1D880] =	vst v63  }
0x20: {  	_ =	swait.ge [sflag:s16], $0x1F40  }
0x21: {  	[sflag:s16] =	ssyncset.done $0x0  }
0x22: {  	[sflag:s16] =	ssyncadd.s32 $0xFFFFE0C0  }
0x23: {  	[spmem:s6] =	stream.linear.scatter [tilespmem:s15], [sflag:$0x3], $0x1F40, $0x38;
	[tilespmem:$0x1D880] =	vst v63  }
0x24: {  	_ =	swait.ge [sflag:s16], $0x1F40  }
0x25: {  	[sflag:s16] =	ssyncset.done $0x0  }
0x26: {  	[sflag:s16] =	ssyncadd.s32 $0xFFFFE0C0  }
0x27: {  	[spmem:s7] =	stream.linear.scatter [tilespmem:s15], [sflag:$0x3], $0x1F40, $0x38;
	[tilespmem:$0x1D880] =	vst v63  }
0x28: {  	_ =	swait.ge [sflag:s16], $0x1F40  }
0x29: {  	[sflag:s16] =	ssyncset.done $0x0  }
0x2a: {  	[sflag:s16] =	ssyncadd.s32 $0xFFFFE0C0  }
0x2b: {  	[spmem:s8] =	stream.linear.scatter [tilespmem:s15], [sflag:$0x3], $0x1F40, $0x38;
	[tilespmem:$0x1D880] =	vst v63  }
0x2c: {  	_ =	swait.ge [sflag:s16], $0x1F40  }
0x2d: {  	[sflag:s16] =	ssyncset.done $0x0  }
0x2e: {  	[sflag:s16] =	ssyncadd.s32 $0xFFFFE0C0  }
0x2f: {  	[spmem:s9] =	stream.linear.scatter [tilespmem:s15], [sflag:$0x3], $0x1F40, $0x38;
	[tilespmem:$0x1D880] =	vst v63  }
0x30: {  	_ =	swait.ge [sflag:s16], $0x1F40  }
0x31: {  	[sflag:s16] =	ssyncset.done $0x0  }
0x32: {  	s26 =	simm.s32 $0x0;
	[sflag:s16] =	ssyncadd.s32 $0xFFFFE0C0  }
0x33: {  	[tilespmem:s26], [sflag:$0x3] =	stream.linear.gather [hbm4b:s10+s26], $0x5000, $0x38;
	[tilespmem:$0x1D880] =	vst v63  }
0x34: {  	_ =	swait.ge [sflag:s16], $0x5000  }
0x35: {  	[sflag:s16] =	ssyncset.done $0x0  }
0x36: {  	s22 =	simm.s32 $0x5000;
	[sflag:s16] =	ssyncadd.s32 $0xFFFFB000  }
0x37: {  	[tilespmem:s22], [sflag:$0x3] =	stream.linear.gather [hbm4b:s11+s26], $0x5000, $0x38;
	[tilespmem:$0x1D880] =	vst v63  }
0x38: {  	_ =	swait.ge [sflag:s16], $0x5000  }
0x39: {  	[sflag:s16] =	ssyncset.done $0x0  }
0x3a: {  	[sflag:s16] =	ssyncadd.s32 $0xFFFFB000  }
0x3b: {  	[tilespmem:s19], [sflag:$0x1] =	stream.indirect.gather [hbm4b:s1+s18], $0x40, s26, s18, $0xb8;
	[tilespmem:$0x1D880] =	vst v63  }
0x3c: {  	s22 =	simm.s32 $0x80  }
0x3d: {  	[tilespmem:s21], [sflag:$0x1] =	stream.indirect.gather [hbm4b:s1+s18], $0x40, s22, s18, $0xb8;
	[tilespmem:$0x1D880] =	vst v63  }
0x3e: {  	s26 =	simm.s32 $0x100  }
0x3f: {  	[tilespmem:s23], [sflag:$0x1] =	stream.indirect.gather [hbm4b:s1+s18], $0x40, s26, s18, $0xb8;
	[tilespmem:$0x1D880] =	vst v63  }
0x40: {  	s22 =	simm.s32 $0x180  }
0x41: {  	[tilespmem:s28], [sflag:$0x1] =	stream.indirect.gather [hbm4b:s1+s18], $0x40, s22, s18, $0xb8;
	[tilespmem:$0x1D880] =	vst v63  }
0x42: {  	[bflag:$0x0] =	sbarrier.arrive $0xFFFF  }
0x43: {  	_ =	swait.ge [sflag:s29], $0x1F40  }
0x44: {  	[sflag:s29] =	ssyncset.done $0x0  }
0x45: {  	s26 =	simm.s32 $0x5000;
	[sflag:s29] =	ssyncadd.s32 $0xFFFFE0C0  }
0x46: {  	[spmem:s2] =	stream.indirect.scatter.add.f32 [tilespmem:s19], [sflag:$0x2], $0x40, s26, s18, $0xb8;
	[tilespmem:$0x1D880] =	vst v63  }
0x47: {  	_ =	swait.ge [sflag:s30], $0x1F40  }
0x48: {  	[sflag:s30] =	ssyncset.done $0x0  }
0x49: {  	s22 =	simm.s32 $0x200;
	[sflag:s30] =	ssyncadd.s32 $0xFFFFE0C0  }
0x4a: {  	[tilespmem:s19], [sflag:$0x1] =	stream.indirect.gather [hbm4b:s1+s18], $0x40, s22, s18, $0xb8;
	[tilespmem:$0x1D880] =	vst v63  }
0x4b: {  	_ =	swait.ge [sflag:s29], $0x1F40  }
0x4c: {  	[sflag:s29] =	ssyncset.done $0x0  }
0x4d: {  	s26 =	simm.s32 $0x5080;
	[sflag:s29] =	ssyncadd.s32 $0xFFFFE0C0  }
0x4e: {  	[spmem:s2] =	stream.indirect.scatter.add.f32 [tilespmem:s21], [sflag:$0x2], $0x40, s26, s18, $0xb8;
	[tilespmem:$0x1D880] =	vst v63  }
0x4f: {  	_ =	swait.ge [sflag:s30], $0x1F40  }
0x50: {  	[sflag:s30] =	ssyncset.done $0x0  }
0x51: {  	s22 =	simm.s32 $0x280;
	[sflag:s30] =	ssyncadd.s32 $0xFFFFE0C0  }
0x52: {  	[tilespmem:s21], [sflag:$0x1] =	stream.indirect.gather [hbm4b:s1+s18], $0x40, s22, s18, $0xb8;
	[tilespmem:$0x1D880] =	vst v63  }
0x53: {  	_ =	swait.ge [sflag:s29], $0x1F40  }
0x54: {  	[sflag:s29] =	ssyncset.done $0x0  }
0x55: {  	s26 =	simm.s32 $0x5100;
	[sflag:s29] =	ssyncadd.s32 $0xFFFFE0C0  }
0x56: {  	[spmem:s2] =	stream.indirect.scatter.add.f32 [tilespmem:s23], [sflag:$0x2], $0x40, s26, s18, $0xb8;
	[tilespmem:$0x1D880] =	vst v63  }
0x57: {  	_ =	swait.ge [sflag:s30], $0x1F40  }
0x58: {  	[sflag:s30] =	ssyncset.done $0x0  }
0x59: {  	s22 =	simm.s32 $0x300;
	[sflag:s30] =	ssyncadd.s32 $0xFFFFE0C0  }
0x5a: {  	[tilespmem:s23], [sflag:$0x1] =	stream.indirect.gather [hbm4b:s1+s18], $0x40, s22, s18, $0xb8;
	[tilespmem:$0x1D880] =	vst v63  }
0x5b: {  	_ =	swait.ge [sflag:s29], $0x1F40  }
0x5c: {  	[sflag:s29] =	ssyncset.done $0x0  }
0x5d: {  	s26 =	simm.s32 $0x5180;
	[sflag:s29] =	ssyncadd.s32 $0xFFFFE0C0  }
0x5e: {  	[spmem:s2] =	stream.indirect.scatter.add.f32 [tilespmem:s28], [sflag:$0x2], $0x40, s26, s18, $0xb8;
	[tilespmem:$0x1D880] =	vst v63  }
0x5f: {  	_ =	swait.ge [sflag:s30], $0x1F40  }
0x60: {  	[sflag:s30] =	ssyncset.done $0x0  }
0x61: {  	s20 =	simm.s32 $0x800;
	s22 =	simm.s32 $0x380;
	[sflag:s30] =	ssyncadd.s32 $0xFFFFE0C0  }
.LBB2_4:
0x62: {  	[tilespmem:s28], [sflag:$0x1] =	stream.indirect.gather [hbm4b:s1+s18], $0x40, s22, s18, $0xb8;
	[tilespmem:$0x1D880] =	vst v63  }
0x63: {  	s22 =	smov.u32 s20  }
0x64: {  	p1 =	sne.s32 s20, $0x13000;
	s20 =	sadd.s32 $0x800, s20;
	_ =	swait.ge [sflag:s29], $0x1F40  }
0x65: {  	s22 =	sshra.s32 s22, $0x2;
	[sflag:s29] =	ssyncset.done $0x0  }
0x66: {  	s26 =	sadd.s32 $0x5000, s22;
	[sflag:s29] =	ssyncadd.s32 $0xFFFFE0C0  }
0x67: {  	[spmem:s2] =	stream.indirect.scatter.add.f32 [tilespmem:s19], [sflag:$0x2], $0x40, s26, s18, $0xb8;
	[tilespmem:$0x1D880] =	vst v63  }
0x68: {  	_ =	swait.ge [sflag:s30], $0x1F40  }
0x69: {  	[sflag:s30] =	ssyncset.done $0x0  }
0x6a: {  	s26 =	sadd.s32 $0x200, s22;
	[sflag:s30] =	ssyncadd.s32 $0xFFFFE0C0  }
0x6b: {  	[tilespmem:s19], [sflag:$0x1] =	stream.indirect.gather [hbm4b:s1+s18], $0x40, s26, s18, $0xb8;
	[tilespmem:$0x1D880] =	vst v63  }
0x6c: {  	_ =	swait.ge [sflag:s29], $0x1F40  }
0x6d: {  	[sflag:s29] =	ssyncset.done $0x0  }
0x6e: {  	s26 =	sadd.s32 $0x5080, s22;
	[sflag:s29] =	ssyncadd.s32 $0xFFFFE0C0  }
0x6f: {  	[spmem:s2] =	stream.indirect.scatter.add.f32 [tilespmem:s21], [sflag:$0x2], $0x40, s26, s18, $0xb8;
	[tilespmem:$0x1D880] =	vst v63  }
0x70: {  	_ =	swait.ge [sflag:s30], $0x1F40  }
0x71: {  	[sflag:s30] =	ssyncset.done $0x0  }
0x72: {  	s26 =	sadd.s32 $0x280, s22;
	[sflag:s30] =	ssyncadd.s32 $0xFFFFE0C0  }
0x73: {  	[tilespmem:s21], [sflag:$0x1] =	stream.indirect.gather [hbm4b:s1+s18], $0x40, s26, s18, $0xb8;
	[tilespmem:$0x1D880] =	vst v63  }
0x74: {  	_ =	swait.ge [sflag:s29], $0x1F40  }
0x75: {  	[sflag:s29] =	ssyncset.done $0x0  }
0x76: {  	s26 =	sadd.s32 $0x5100, s22;
	[sflag:s29] =	ssyncadd.s32 $0xFFFFE0C0  }
0x77: {  	[spmem:s2] =	stream.indirect.scatter.add.f32 [tilespmem:s23], [sflag:$0x2], $0x40, s26, s18, $0xb8;
	[tilespmem:$0x1D880] =	vst v63  }
0x78: {  	_ =	swait.ge [sflag:s30], $0x1F40  }
0x79: {  	[sflag:s30] =	ssyncset.done $0x0  }
0x7a: {  	s26 =	sadd.s32 $0x300, s22;
	[sflag:s30] =	ssyncadd.s32 $0xFFFFE0C0  }
0x7b: {  	[tilespmem:s23], [sflag:$0x1] =	stream.indirect.gather [hbm4b:s1+s18], $0x40, s26, s18, $0xb8;
	[tilespmem:$0x1D880] =	vst v63  }
0x7c: {  	_ =	swait.ge [sflag:s29], $0x1F40  }
0x7d: {  	[sflag:s29] =	ssyncset.done $0x0  }
.Ltmp1:
0x7e: {  	s26 =	sadd.s32 $0x5180, s22;
	[sflag:s29] =	ssyncadd.s32 $0xFFFFE0C0;
	(pc) =	sbr.rel @p1 .LBB2_4-.Ltmp1, $4  }
0x7f: {  	[spmem:s2] =	stream.indirect.scatter.add.f32 [tilespmem:s28], [sflag:$0x2], $0x40, s26, s18, $0xb8;
	[tilespmem:$0x1D880] =	vst v63  }
0x80: {  	_ =	swait.ge [sflag:s30], $0x1F40  }
0x81: {  	[sflag:s30] =	ssyncset.done $0x0  }
0x82: {  	s22 =	sadd.s32 $0x380, s22;
	[sflag:s30] =	ssyncadd.s32 $0xFFFFE0C0  }
0x83: {  	[tilespmem:s28], [sflag:$0x1] =	stream.indirect.gather [hbm4b:s1+s18], $0x40, s22, s18, $0xb8;
	[tilespmem:$0x1D880] =	vst v63  }
0x84: {  	_ =	swait.ge [sflag:s29], $0x1F40  }
0x85: {  	[sflag:s29] =	ssyncset.done $0x0  }
0x86: {  	[sflag:s29] =	ssyncadd.s32 $0xFFFFE0C0  }
0x87: {  	[spmem:s2] =	stream.indirect.scatter.add.f32 [tilespmem:s19], [sflag:$0x2], $0x40, s31, s18, $0xb8;
	[tilespmem:$0x1D880] =	vst v63  }
0x88: {  	_ =	swait.ge [sflag:s30], $0x1F40  }
0x89: {  	[sflag:s30] =	ssyncset.done $0x0  }
0x8a: {  	[sflag:s30] =	ssyncadd.s32 $0xFFFFE0C0  }
0x8b: {  	_ =	swait.ge [sflag:s29], $0x1F40  }
0x8c: {  	[sflag:s29] =	ssyncset.done $0x0  }
0x8d: {  	[sflag:s29] =	ssyncadd.s32 $0xFFFFE0C0  }
0x8e: {  	[spmem:s2] =	stream.indirect.scatter.add.f32 [tilespmem:s21], [sflag:$0x2], $0x40, s0, s18, $0xb8;
	[tilespmem:$0x1D880] =	vst v63  }
0x8f: {  	_ =	swait.ge [sflag:s30], $0x1F40  }
0x90: {  	[sflag:s30] =	ssyncset.done $0x0  }
0x91: {  	[sflag:s30] =	ssyncadd.s32 $0xFFFFE0C0  }
0x92: {  	_ =	swait.ge [sflag:s29], $0x1F40  }
0x93: {  	[sflag:s29] =	ssyncset.done $0x0  }
0x94: {  	[sflag:s29] =	ssyncadd.s32 $0xFFFFE0C0  }
0x95: {  	[spmem:s2] =	stream.indirect.scatter.add.f32 [tilespmem:s23], [sflag:$0x2], $0x40, s4, s18, $0xb8;
	[tilespmem:$0x1D880] =	vst v63  }
0x96: {  	_ =	swait.ge [sflag:s30], $0x1F40  }
0x97: {  	[sflag:s30] =	ssyncset.done $0x0  }
0x98: {  	[sflag:s30] =	ssyncadd.s32 $0xFFFFE0C0  }
0x99: {  	_ =	swait.ge [sflag:s29], $0x1F40  }
0x9a: {  	[sflag:s29] =	ssyncset.done $0x0  }
0x9b: {  	[sflag:s29] =	ssyncadd.s32 $0xFFFFE0C0  }
0x9c: {  	[spmem:s2] =	stream.indirect.scatter.add.f32 [tilespmem:s28], [sflag:$0x2], $0x40, s17, s18, $0xb8;
	[tilespmem:$0x1D880] =	vst v63  }
0x9d: {  	_ =	swait.ge [sflag:s30], $0x1F40  }
0x9e: {  	s20 =	stileid.u32;
	[sflag:s30] =	ssyncset.done $0x0  }
0x9f: {  	s20 =	sshll.u32 s20, $0x6;
	[sflag:s30] =	ssyncadd.s32 $0xFFFFE0C0  }
0xa0: {  	s20 =	sor.u32 $0x1C03, s20;
	[bflag:$0x0] =	sbarrier.arrive $0xFFFF  }
0xa1: {  	[hbm:s12], [sflag:s20] =	dma.local [spmem:s24], $0x1380  }
0xa2: {  	_ =	swait.ge [sflag:s16], $0x1380  }
0xa3: {  	s3 =	sadd.s32 $0x1, s3;
	[sflag:s16] =	ssyncset.done $0x0  }
0xa4: {  	p1 =	sne.s32 s3, s14;
	[sflag:s16] =	ssyncadd.s32 $0xFFFFEC80  }
0xa5: {  	[hbm:s13], [sflag:s20] =	dma.local @!p0 [spmem:s25], $0x80  }
.Ltmp2:
0xa6: {  	_ = 	snop;
	(pc) =	sbr.rel @p1 .LBB2_1-.Ltmp2, $4  }
0xa7: {  	s20 =	simm.s32 @!p0 $0x3  }
0xa8: {  	_ =	swait.ge @!p0 [sflag:s20], $0x80  }
0xa9: {  	[sflag:s20] =	ssyncset.done @!p0 $0x0  }
0xaa: {  	[sflag:s20] =	ssyncadd.s32 @!p0 $0xFFFFFF80  }
0xab: {  	_ =	sfence.sel $0x180000  }
0xac: {  	[bflag:$0x0] =	sbarrier.arrive $0xFFFF  }
0xad: {  	_ =	strace $0x9000004A  }
0xae: {  	[bflag:$0x2] =	sbarrier.arrive $0xFFFF  }
0xaf: {  	s0 =	rddreg [dreg:$0x3]  }
0xb0: {  	s0 =	sadd.s32 @!p0 $0x100000, s0  }
0xb1: {  	[sflag:s0] =	ssyncadd.tile.s32 @!p0 $0x1;
	_ =	shalt  }
.Lfunc_end2:
_tile_overlayer_lowered:
.L_overlay_start_2:
0xb2: {  	(tag) =	ssettag $0x2  }
0xb3: {  	s0 =	rddreg [dreg:$0x0];
	s2 =	stileid.u32  }
0xb4: {  	s1 =	rddreg [dreg:$0x1];
	p0 =	sne.s32 s2, $0x0  }
0xb5: {  	s3 =	rddreg [dreg:$0x2];
	[bflag:$0x3] =	sbarrier.arrive $0xFFFF;
	s2 =	simm.s32 @!p0 $0x1C03  }
0xb6: {  	[timem:s3], [sflag:s2] =	dma.local @!p0 [hbm:s0], s1  }
0xb7: {  	s0 =	simm.s32 @!p0 $0x3  }
0xb8: {  	_ =	swait.ge @!p0 [sflag:s0], s1  }
0xb9: {  	s1 =	ssub.s32 @!p0 $0x0, s1;
	[sflag:s0] =	ssyncset.done @!p0 $0x0  }
0xba: {  	[sflag:s0] =	ssyncadd.s32 @!p0 s1  }
0xbb: {  	[bflag:$0x3] =	sbarrier.arrive $0xFFFF  }
0xbc: {  	_ =	shalt  }

// kernel: sc_sage_agg_deg.3.cloned.1.call-start
scs
__scs_entry_jumppad:
0x0: {  	(pc) =	sbr.rel $0x88, $3  }
0x1: {  	(tag) =	ssettag $0x0;
	lr =	simm.s32 $0x1  }
0x2: {  	[smem:$0x3F99] =	sst lr;
	_ =	strace $0xD0000000  }
0x3: {  	_ = 	snop  }
0x4: {  	_ = 	snop  }
0x5: {  	_ = 	snop  }
0x6: {  	_ = 	snop  }
0x7: {  	_ = 	snop  }
__scs_overlays_trampoline_lowered:
0x8: {  	[smem:$0x3FA8] =	sst s0  }
0x9: {  	[smem:$0x3FA9] =	sst s1  }
0xa: {  	[smem:$0x3FAA] =	sst s2  }
0xb: {  	[smem:$0x3FAB] =	sst s3  }
0xc: {  	[smem:$0x3FAC] =	sst s4  }
0xd: {  	[smem:$0x3FAD] =	sst s5  }
0xe: {  	[smem:$0x3FAE] =	sst s6  }
0xf: {  	[smem:$0x3FAF] =	sst s7  }
0x10: {  	[smem:$0x3FB0] =	sst s8  }
0x11: {  	[smem:$0x3FB1] =	sst s9;
	s0 =	simm.s32 @!p0 $0x0  }
0x12: {  	s1 =	sld [smem:$0x3F97];
	s0 =	simm.s32 @p0 $0x1  }
0x13: {  	[smem:$0x3FB2] =	sst s0;
	s0 =	simm.s32 @!p1 $0x0  }
0x14: {  	s2 =	sld [smem:$0x3F96];
	s0 =	simm.s32 @p1 $0x1  }
0x15: {  	[smem:$0x3FB3] =	sst s0;
	s0 =	simm.s32 @!p2 $0x0  }
0x16: {  	s3 =	sld [smem:$0x3FDB];
	s0 =	simm.s32 @p2 $0x1  }
0x17: {  	s4 =	simm.s32 $0x1BF5;
	[smem:$0x3FB5] =	sst s0  }
0x18: {  	s0 =	sld [smem:$0x3F98];
	_ =	swait.ge [sflag:s4], $0x0  }
0x19: {  	s7 =	sld [smem:$0x3F99]  }
0x1a: {  	s8 =	sadd.s32 $0xFFFFE003, lr  }
0x1b: {  	s9 =	sadd.s32 $0xFFFFFEF7, lr;
	s5 =	simm.s32 $0xFFFFFFFF;
	p2 =	slt.u32 s8, $0xFFFFF086  }
0x1c: {  	p1 =	slt.u32 s9, $0xF7A;
	s5 =	simm.s32 @!p2 $0x0  }
0x1d: {  	s5 =	simm.s32 @p1 $0x1;
	p0 =	seq.s32 s7, s2  }
0x1e: {  	s7 =	smul.u32 @!p0 $0xF7A, s2;
	p2 =	seq.s32 @!p0 s5, $0x0  }
0x1f: {  	s9 =	smul.u32 $0xF7A, s1;
	s8 =	simm.s32 @!p0 $0x1BF5;
	p2 =	por !p2, p0  }
0x20: {  	[sflag:s8] =	ssyncset.s32 @!p0 $0xFFFFF086;
	s6 =	sadd.s32 @!p0 s3, s7;
	s7 =	simm.s32 @!p0 $0x108  }
0x21: {  	s3 =	sadd.s32 s3, s9;
	s6 =	sadd.s32 @!p0 $0x88, s6;
	s7 =	simm.s32 @p2 $0x1082  }
0x22: {  	[simem:s7], [sflag:s8] =	dma.local @!p0 [hbm:s6], $0xF7A  }
0x23: {  	s9 =	sor.u32 $0xD0000000, s2;
	s6 =	simm.s32 $0x108;
	_ =	swait.ge @!p0 [sflag:s8], $0x0  }
0x24: {  	s3 =	sadd.s32 $0x88, s3;
	s6 =	simm.s32 @!p1 $0x1082;
	[sflag:s4] =	ssyncset.s32 $0xFFFFF086  }
0x25: {  	[simem:s6], [sflag:s4] =	dma.local [hbm:s3], $0xF7A  }
0x26: {  	[smem:$0x3F99] =	sst s1;
	(tag) =	ssettag s2;
	_ =	strace s9  }
0x27: {  	s1 =	sld [smem:$0x3FA9]  }
0x28: {  	s2 =	sld [smem:$0x3FAA]  }
0x29: {  	s4 =	sld [smem:$0x3FAC]  }
0x2a: {  	p0 =	seq.s32 s5, $0x0;
	s5 =	sld [smem:$0x3FAD]  }
0x2b: {  	s6 =	sld [smem:$0x3FAE]  }
0x2c: {  	s7 =	sld [smem:$0x3FAF]  }
0x2d: {  	s3 =	simm.s32 $0x108;
	s8 =	sld [smem:$0x3FB0]  }
0x2e: {  	s3 =	simm.s32 @!p0 $0x1082;
	s9 =	sld [smem:$0x3FB1]  }
0x2f: {  	lr =	sadd.s32 s0, s3;
	s0 =	sld [smem:$0x3FA8]  }
0x30: {  	s3 =	sld [smem:$0x3FAB]  }
0x31: {  	[smem:$0x3FB4] =	sst s10  }
0x32: {  	s10 =	sld [smem:$0x3FB2];
	_ =	sdelay $0x3  }
0x33: {  	p0 =	seq.s32 s10, $0x1;
	s10 =	sld [smem:$0x3FB4];
	_ =	sdelay $0x3  }
0x34: {  	[smem:$0x3FB4] =	sst s10  }
0x35: {  	s10 =	sld [smem:$0x3FB3];
	_ =	sdelay $0x3  }
0x36: {  	p1 =	seq.s32 s10, $0x1;
	s10 =	sld [smem:$0x3FB4];
	_ =	sdelay $0x3  }
0x37: {  	[smem:$0x3FB4] =	sst s10  }
0x38: {  	s10 =	sld [smem:$0x3FB5]  }
0x39: {  	_ = 	snop;
	(pc) =	sbr.ind lr, $3  }
0x3a: {  	_ = 	snop  }
0x3b: {  	_ = 	snop  }
0x3c: {  	p2 =	seq.s32 s10, $0x1;
	s10 =	sld [smem:$0x3FB4]  }
0x3d: {  	_ =	shalt  }
0x3e: {  	_ =	shalt  }
0x3f: {  	_ =	shalt  }
0x40: {  	_ =	shalt  }
0x41: {  	_ =	shalt  }
0x42: {  	_ =	shalt  }
0x43: {  	_ =	shalt  }
0x44: {  	_ =	shalt  }
0x45: {  	_ =	shalt  }
0x46: {  	_ =	shalt  }
0x47: {  	_ =	shalt  }
0x48: {  	_ =	shalt  }
0x49: {  	_ =	shalt  }
0x4a: {  	_ =	shalt  }
0x4b: {  	_ =	shalt  }
0x4c: {  	_ =	shalt  }
0x4d: {  	_ =	shalt  }
0x4e: {  	_ =	shalt  }
0x4f: {  	_ =	shalt  }
0x50: {  	_ =	shalt  }
0x51: {  	_ =	shalt  }
0x52: {  	_ =	shalt  }
0x53: {  	_ =	shalt  }
0x54: {  	_ =	shalt  }
0x55: {  	_ =	shalt  }
0x56: {  	_ =	shalt  }
0x57: {  	_ =	shalt  }
0x58: {  	_ =	shalt  }
0x59: {  	_ =	shalt  }
0x5a: {  	_ =	shalt  }
0x5b: {  	_ =	shalt  }
0x5c: {  	_ =	shalt  }
0x5d: {  	_ =	shalt  }
0x5e: {  	_ =	shalt  }
0x5f: {  	_ =	shalt  }
0x60: {  	_ =	shalt  }
0x61: {  	_ =	shalt  }
0x62: {  	_ =	shalt  }
0x63: {  	_ =	shalt  }
0x64: {  	_ =	shalt  }
0x65: {  	_ =	shalt  }
0x66: {  	_ =	shalt  }
0x67: {  	_ =	shalt  }
0x68: {  	_ =	shalt  }
0x69: {  	_ =	shalt  }
0x6a: {  	_ =	shalt  }
0x6b: {  	_ =	shalt  }
0x6c: {  	_ =	shalt  }
0x6d: {  	_ =	shalt  }
0x6e: {  	_ =	shalt  }
0x6f: {  	_ =	shalt  }
0x70: {  	_ =	shalt  }
0x71: {  	_ =	shalt  }
0x72: {  	_ =	shalt  }
0x73: {  	_ =	shalt  }
0x74: {  	_ =	shalt  }
0x75: {  	_ =	shalt  }
0x76: {  	_ =	shalt  }
0x77: {  	_ =	shalt  }
0x78: {  	_ =	shalt  }
0x79: {  	_ =	shalt  }
0x7a: {  	_ =	shalt  }
0x7b: {  	_ =	shalt  }
0x7c: {  	_ =	shalt  }
0x7d: {  	_ =	shalt  }
0x7e: {  	_ =	shalt  }
0x7f: {  	_ =	shalt  }
0x80: {  	_ =	shalt  }
0x81: {  	_ =	shalt  }
0x82: {  	_ =	shalt  }
0x83: {  	_ =	shalt  }
0x84: {  	_ =	shalt  }
0x85: {  	_ =	shalt  }
0x86: {  	_ =	shalt  }
0x87: {  	_ =	shalt  }
.Lfunc_end0:
.L_simem_size_0:
called_computation_lowered:
.L_overlay_start_0:
0x88: {  	s2 =	sld [smem:$0x3FD9]  }
0x89: {  	s3 =	sld [smem:$0x3FFE];
	_ =	sdelay $0x1  }
0x8a: {  	s1 =	srdreg.scid  }
0x8b: {  	s0 =	sand.u32 $0x1, s1  }
0x8c: {  	s17 =	sshll.u32 s0, $0xA;
	s2 =	sadd.s32 s3, s2  }
0x8d: {  	s2 =	sadd.s32 s2, s17  }
0x8e: {  	[smem:$0x3FC0] =	sst s2  }
0x8f: {  	_ = 	snop  }
0x90: {  	s2 =	sld [smem:$0x3FC9]  }
0x91: {  	s18 =	sld [smem:$0x3FD0];
	(tm) =	ssettm $0x1  }
0x92: {  	s4 =	sld [smem:$0x3FFB];
	_ =	sdelay $0x3  }
0x93: {  	_ =	strace s4  }
0x94: {  	s4 =	sld [smem:$0x3FFC];
	_ =	sdelay $0x3  }
0x95: {  	_ =	strace s4  }
0x96: {  	s4 =	sld [smem:$0x3FFD];
	_ =	sdelay $0x3  }
0x97: {  	_ =	strace s4  }
0x98: {  	_ =	strace $0x8FFFFFFF  }
0x99: {  	s19 =	sld [smem:$0x3FDB];
	_ =	sdelay $0x1  }
0x9a: {  	s5 =	simm.s32 $_scs_section_size  }
0x9b: {  	s6 =	simm.s32 $_size__tile_overlayer_lowered;
	s7 =	simm.s32 $_tile_overlayer_lowered  }
0x9c: {  	s22 =	simm.s32 $0x1BFF;
	s21 =	sshll.u32 s7, $0x1;
	s4 =	sadd.s32 s5, s19  }
0x9d: {  	s8 =	simm.s32 $0x0;
	s20 =	sshll.u32 s6, $0x1;
	s6 =	sadd.s32 s21, s4  }
0x9e: {  	[timem:s8], [sflag:s22] =	dma.local [hbm:s6], s20  }
0x9f: {  	_ =	swait.ge [sflag:s22], s20  }
0xa0: {  	s5 =	ssub.s32 $0x0, s20;
	[sflag:s22] =	ssyncset.done $0x0  }
0xa1: {  	[sflag:s22] =	ssyncadd.s32 s5;
	_ =	sdelay $0x1  }
0xa2: {  	s23 =	simm.s32 $0x1B8B  }
0xa3: {  	_ =	swait.ge [sflag:s23], $0x1  }
0xa4: {  	[sflag:s23] =	ssyncset.done $0x0  }
0xa5: {  	s25 =	simm.s32 $0x1B8E;
	s24 =	sld [smem:$0x3FFE];
	[sflag:s23] =	ssyncadd.s32 $0xFFFFFFFF  }
0xa6: {  	s26 =	simm.s32 $execute0_lowered;
	[smem:$0x3FD2] =	sst s25  }
0xa7: {  	s6 =	sshll.u32 s26, $0x1;
	_ =	strace $0x80000046;
	[dreg:$0x1] =	wrdreg $0xFFFFFFFF  }
0xa8: {  	s28 =	simm.s32 $_size_execute0_lowered;
	s4 =	sadd.s32 s4, s6;
	[dreg:$0x0] =	wrdreg $0x0  }
0xa9: {  	s6 =	sshll.u32 s28, $0x1;
	[dreg:$0x2] =	wrdreg s4  }
0xaa: {  	[dreg:$0x3] =	wrdreg s6  }
0xab: {  	[dreg:$0x4] =	wrdreg $0xC0  }
0xac: {  	_ =	task [dreg:s8], $0x5FFFF  }
0xad: {  	[dreg:$0x1] =	wrdreg $0xFFFFFFFF  }
0xae: {  	[dreg:$0x0] =	wrdreg $0x60  }
0xaf: {  	[dreg:$0x2] =	wrdreg s24  }
0xb0: {  	[dreg:$0x3] =	wrdreg s2  }
0xb1: {  	[dreg:$0x4] =	wrdreg s18  }
0xb2: {  	[dreg:$0x5] =	wrdreg $0x12CA00  }
0xb3: {  	[dreg:$0x6] =	wrdreg $0x1C8E00  }
0xb4: {  	[dreg:$0x7] =	wrdreg $0x9  }
0xb5: {  	_ =	task.clear_ibuf [dreg:s8], $0x8FFFF;
	_ =	strace $0x90000046  }
0xb6: {  	s29 =	simm.s32 $0x9;
	_ =	strace $0x80000048  }
0xb7: {  	_ =	swait.ge [sflag:s29], $0x1  }
0xb8: {  	[sflag:s29] =	ssyncadd.s32 $0xFFFFFFFF  }
0xb9: {  	_ =	strace $0x90000048  }
0xba: {  	_ =	sfence  }
0xbb: {  	s30 =	sld [smem:$0x0];
	_ =	sdelay $0x2  }
0xbc: {  	s31 =	sshll.u32 s1, $0xD;
	s1 =	sshrl.u32 s1, $0x2  }
0xbd: {  	s3 =	sand.u32 $0x4000, s31;
	s1 =	sadd.s32 s1, s30  }
0xbe: {  	s0 =	sor.u32 s3, s0;
	s1 =	sshll.u32 s1, $0x11  }
0xbf: {  	s0 =	sor.u32 s1, s0  }
0xc0: {  	s0 =	sadd.s32 $0x8F2B, s0  }
0xc1: {  	[sflag:s0] =	ssyncadd.remote.s32 $0x1  }
0xc2: {  	_ =	sfence.sel $0xFFFF  }
0xc3: {  	[dreg:$0x0] =	wrdreg $0xFFFFFFFF;
	(pc) =	sbr.abs _section_cstart, $3  }
0xc4: {  	[dreg:$0x1] =	wrdreg $0xFFFFFFFF  }
0xc5: {  	_ =	task.clear_ibuf [dreg:s8], $0x2FFFF;
	_ =	strace $0x9FFFFFFF  }
0xc6: {  	(tm) =	ssettm $0x7FFFFFFF  }
0xc7: {  	_ =	shalt  }
tec
execute0_lowered:
.L_overlay_start_1:
0x0: {  	(tag) =	ssettag $0x1  }
0x1: {  	s0 =	rddreg [dreg:$0x0]  }
0x2: {  	s1 =	rddreg [dreg:$0x1]  }
0x3: {  	s4 =	rddreg [dreg:$0x2]  }
0x4: {  	s2 =	rddreg [dreg:$0x3]  }
0x5: {  	s3 =	rddreg [dreg:$0x4];
	s16 =	stileid.u32  }
0x6: {  	s6 =	srdreg.scid;
	s7 =	smul.u32 $0x271, s16  }
0x7: {  	s5 =	simm.s32 $0x0;
	s30 =	simm.s32 $0xFDC0;
	s9 =	smul.u32 $0x27100, s16  }
0x8: {  	s31 =	simm.s32 $0x4;
	s6 =	sand.u32 $0x1, s6;
	s11 =	smul.u32 $0x9C40, s16  }
0x9: {  	[smem:$0x7FF] =	sst s5;
	s12 =	sadd.s32 $0x1E00, s0;
	s14 =	smul.u32 $0x5000, s16  }
0xa: {  	s0 =	sadd.s32 $0x1FE00, s0;
	s26 =	smul.u32 $0x9C00, s16;
	p1 =	sne.s32 s16, $0x0  }
0xb: {  	s8 =	ssub.s32 $0x2, s6;
	_ =	strace $0x80000047;
	s21 =	smul.u32 $0x50000, s6  }
0xc: {  	s24 =	smul.u32 $0x9C400, s6;
	p0 =	seq.s32 s6, $0x0;
	s10 =	sshrl.u32 s8, $0x1  }
0xd: {  	s9 =	sshrl.u32 s9, $0x2;
	s15 =	sshrl.u32 s11, $0x2;
	s17 =	sadd.s32 $0x7D, s7  }
0xe: {  	s20 =	sadd.s32 $0xFA, s7;
	s25 =	sadd.s32 $0x177, s7;
	s7 =	sadd.s32 $0x1F4, s7  }
0xf: {  	s8 =	ssub.s32 s8, s10;
	s9 =	sadd.s32 s9, s2;
	s18 =	sadd.s32 s15, s3  }
0x10: {  	s19 =	sshll.u32 s17, $0x6;
	s11 =	sshll.u32 s17, $0x4;
	s13 =	sshll.u32 s20, $0x6  }
0x11: {  	s23 =	sadd.s32 s14, s21;
	s17 =	sshrl.u32 s14, $0x3;
	s21 =	smul.u32 $0x2700, s16  }
0x12: {  	s15 =	sshll.u32 s25, $0x6;
	s10 =	sshrl.u32 s24, $0x3;
	[dreg:$0x6] =	wrdreg s9  }
0x13: {  	[dreg:$0x7] =	wrdreg s18;
	s9 =	sadd.s32 s19, s2;
	s11 =	sadd.s32 s11, s3  }
0x14: {  	s22 =	sadd.s32 s13, s2;
	s18 =	smul.u32 $0x27100, s6;
	[dreg:$0x8] =	wrdreg s9  }
0x15: {  	s19 =	sadd.s32 s26, s24;
	s24 =	sshll.u32 s7, $0x6;
	[dreg:$0x9] =	wrdreg s11  }
0x16: {  	s7 =	sshll.u32 s7, $0x4;
	[dreg:$0xa] =	wrdreg s22;
	s9 =	sshll.u32 s20, $0x4  }
0x17: {  	s22 =	sadd.s32 s15, s2;
	s11 =	sshll.u32 s25, $0x4;
	s7 =	sadd.s32 s7, s3  }
0x18: {  	s25 =	sadd.s32 s26, s2;
	s26 =	sadd.s32 s21, s3;
	[dreg:$0xe] =	wrdreg s22  }
0x19: {  	s9 =	sadd.s32 s9, s3;
	s20 =	sadd.s32 s21, s18;
	[dreg:$0x12] =	wrdreg s7  }
0x1a: {  	s11 =	sadd.s32 s11, s3;
	[dreg:$0xb] =	wrdreg s9;
	s9 =	sshrl.u32 s23, $0x3  }
0x1b: {  	s7 =	simm.s32 $0xBF40;
	s23 =	sshrl.u32 s18, $0x3;
	s9 =	sadd.s32 s12, s9  }
0x1c: {  	[dreg:$0xc] =	wrdreg s9;
	s9 =	sadd.s32 s12, s17;
	s12 =	sshrl.u32 s19, $0x3  }
0x1d: {  	[dreg:$0x10] =	wrdreg s11;
	s11 =	simm.s32 $0x3;
	s12 =	sadd.s32 s4, s12  }
0x1e: {  	s4 =	sadd.s32 s4, s10;
	s10 =	sshrl.u32 s20, $0x3;
	s19 =	sadd.s32 $0x14000, s9  }
0x1f: {  	s20 =	smul.u32 $0x50, s6;
	s6 =	simm.s32 $0xA000;
	s9 =	simm.s32 $0x1  }
0x20: {  	[dreg:$0xd] =	wrdreg s12;
	s10 =	sadd.s32 s0, s10;
	s0 =	sadd.s32 s0, s23  }
0x21: {  	s21 =	sadd.s32 $0x13800, s4;
	s23 =	smax.u32 s8, $0x1;
	s4 =	sadd.s32 $0x27000, s3  }
.Ltmp0:
0x22: {  	s8 =	simm.s32 $0xDE80;
	[dreg:$0xf] =	wrdreg s10;
	(pc) =	sbr.rel .LBB2_1-.Ltmp0, $4  }
0x23: {  	s10 =	sadd.s32 s24, s2;
	s22 =	sadd.s32 $0x4E00, s0;
	s24 =	sshrl.u32 s25, $0x3  }
0x24: {  	s0 =	sadd.s32 $0x9C000, s2;
	s25 =	sshrl.u32 s26, $0x3;
	s28 =	sshrl.u32 @!p1 s4, $0x3  }
0x25: {  	s29 =	sadd.s32 $0x50, s20;
	s4 =	simm.s32 $0x7D;
	[dreg:$0x11] =	wrdreg s10  }
0x26: {  	v0 =	vimm.f32 $0.0e+00;
	v1 =	vimm.f32 $1.000000000e+00;
	s26 =	sshrl.u32 @!p1 s0, $0x3;
	s0 =	simm.s32 $0x124D0;
	s10 =	simm.s32 $0x2  }
.LBB2_6:
0x27: {  	_ =	swait.ge [sflag:s9], $0x1F40  }
0x28: {  	[sflag:s9] =	ssyncset.done $0x0  }
0x29: {  	s12 =	simm.s32 $0x9F80;
	[sflag:s9] =	ssyncadd.s32 $0xFFFFE0C0  }
0x2a: {  	[spmem:s2] =	stream.indirect.scatter.add.f32 [tilespmem:s6], [sflag:$0x2], $0x40, s12, s4, $0xb8;
	[tilespmem:$0x1EFF0] =	vst v63  }
0x2b: {  	s13 =	simm.s32 @!p0 $0x9F80;
	s14 =	simm.s32 @!p0 $0x11D00;
	s12 =	simm.s32 @!p0 $0x7D  }
0x2c: {  	[spmem:s3] =	stream.indirect.scatter.add.f32 @!p0 [tilespmem:s14], [sflag:$0x3], $0x10, s13, s12, $0xb8;
	[tilespmem:$0x1EFF0] =	vst v63  }
0x2d: {  	s12 =	simm.s32 @!p0 $0x3  }
0x2e: {  	_ =	swait.ge @!p0 [sflag:s12], $0x7D0  }
0x2f: {  	[sflag:s12] =	ssyncset.done @!p0 $0x0  }
0x30: {  	[sflag:s12] =	ssyncadd.s32 @!p0 $0xFFFFF830  }
0x31: {  	_ =	swait.ge [sflag:s10], $0x1F40  }
0x32: {  	[sflag:s10] =	ssyncset.done $0x0  }
0x33: {  	[sflag:s10] =	ssyncadd.s32 $0xFFFFE0C0  }
0x34: {  	_ =	swait.ge [sflag:s11], $0x7D0  }
0x35: {  	[sflag:s11] =	ssyncset.done $0x0  }
0x36: {  	s16 =	stileid.u32;
	[sflag:s11] =	ssyncadd.s32 $0xFFFFF830  }
0x37: {  	s12 =	sshll.u32 s16, $0x6;
	[bflag:$0x0] =	sbarrier.arrive $0xFFFF  }
0x38: {  	s12 =	sor.u32 $0x1C04, s12;
	s17 =	rddreg [dreg:$0xd]  }
0x39: {  	[hbm:s17], [sflag:s12] =	dma.local [spmem:s24], $0x1380  }
0x3a: {  	_ =	swait.ge [sflag:s31], $0x1380  }
0x3b: {  	[sflag:s31] =	ssyncset.done $0x0  }
0x3c: {  	s18 =	rddreg [dreg:$0xf];
	[sflag:s31] =	ssyncadd.s32 $0xFFFFEC80  }
0x3d: {  	[hbm:s18], [sflag:s12] =	dma.local [spmem:s25], $0x4E0  }
0x3e: {  	_ =	swait.ge [sflag:s31], $0x4E0  }
0x3f: {  	[sflag:s31] =	ssyncset.done $0x0  }
0x40: {  	s13 =	simm.s32 @!p1 $0x4;
	[sflag:s31] =	ssyncadd.s32 $0xFFFFFB20  }
0x41: {  	[hbm:s21], [sflag:s12] =	dma.local @!p1 [spmem:s26], $0x80  }
0x42: {  	s5 =	sadd.s32 $0x1, s5;
	_ =	swait.ge @!p1 [sflag:s13], $0x80  }
0x43: {  	p2 =	sne.s32 s5, s23;
	[sflag:s13] =	ssyncset.done @!p1 $0x0  }
.Ltmp1:
0x44: {  	[sflag:s13] =	ssyncadd.s32 @!p1 $0xFFFFFF80;
	(pc) =	sbr.rel @!p2 .LBB2_7-.Ltmp1, $4  }
0x45: {  	[hbm:s22], [sflag:s12] =	dma.local @!p1 [spmem:s28], $0x20  }
0x46: {  	_ =	swait.ge @!p1 [sflag:s13], $0x20  }
0x47: {  	[sflag:s13] =	ssyncset.done @!p1 $0x0  }
0x48: {  	[sflag:s13] =	ssyncadd.s32 @!p1 $0xFFFFFFE0  }
.LBB2_1:
0x49: {  	s12 =	simm.s32 $0xFDE0  }
0x4a: {  	[tilespmem:s12+$0xFFFFFFE0] =	vst v0  }
0x4b: {  	[tilespmem:s12+$0x10] =	vst v0  }
0x4c: {  	[tilespmem:s12+$0x0] =	vst v0  }
0x4d: {  	s13 =	simm.s32 $0x40;
	s14 =	simm.s32 $0x0;
	[tilespmem:s12+$0xFFFFFFF0] =	vst v0  }
.LBB2_2:
0x4e: {  	p2 =	sne.s32 s13, $0x1F00  }
0x4f: {  	[tilespmem:s14+$0x11D00] =	vst v1;
	s12 =	sadd.s32 $0x40, s12;
	s15 =	smov.u32 s13;
	s13 =	sadd.s32 $0x40, s13  }
.Ltmp2:
0x50: {  	[tilespmem:s14+$0x124D0] =	vst v0;
	(pc) =	sbr.rel @p2 .LBB2_2-.Ltmp2, $4  }
0x51: {  	[tilespmem:s12+$0xFFFFFFE0] =	vst v0  }
0x52: {  	[tilespmem:s12+$0x10] =	vst v0  }
0x53: {  	[tilespmem:s12+$0x0] =	vst v0  }
0x54: {  	s14 =	sshra.s32 s15, $0x2;
	[tilespmem:s12+$0xFFFFFFF0] =	vst v0  }
0x55: {  	[tilespmem:s14+$0x11D00] =	vst v1  }
0x56: {  	[tilespmem:s14+$0x124D0] =	vst v0;
	s12 =	rddreg [dreg:$0x6]  }
0x57: {  	[spmem:s12] =	stream.linear.scatter [tilespmem:s30], [sflag:$0x4], $0x1F40, $0x38;
	[tilespmem:$0x1EFF0] =	vst v63  }
0x58: {  	_ =	swait.ge [sflag:s31], $0x1F40  }
0x59: {  	[sflag:s31] =	ssyncset.done $0x0  }
0x5a: {  	s13 =	rddreg [dreg:$0x7];
	[sflag:s31] =	ssyncadd.s32 $0xFFFFE0C0  }
0x5b: {  	[spmem:s13] =	stream.linear.scatter [tilespmem:s0], [sflag:$0x4], $0x7D0, $0x38;
	[tilespmem:$0x1EFF0] =	vst v63  }
0x5c: {  	_ =	swait.ge [sflag:s31], $0x7D0  }
0x5d: {  	[sflag:s31] =	ssyncset.done $0x0  }
0x5e: {  	s14 =	rddreg [dreg:$0x8];
	[sflag:s31] =	ssyncadd.s32 $0xFFFFF830  }
0x5f: {  	[spmem:s14] =	stream.linear.scatter [tilespmem:s30], [sflag:$0x4], $0x1F40, $0x38;
	[tilespmem:$0x1EFF0] =	vst v63  }
0x60: {  	_ =	swait.ge [sflag:s31], $0x1F40  }
0x61: {  	[sflag:s31] =	ssyncset.done $0x0  }
0x62: {  	s15 =	rddreg [dreg:$0x9];
	[sflag:s31] =	ssyncadd.s32 $0xFFFFE0C0  }
0x63: {  	[spmem:s15] =	stream.linear.scatter [tilespmem:s0], [sflag:$0x4], $0x7D0, $0x38;
	[tilespmem:$0x1EFF0] =	vst v63  }
0x64: {  	_ =	swait.ge [sflag:s31], $0x7D0  }
0x65: {  	[sflag:s31] =	ssyncset.done $0x0  }
0x66: {  	s16 =	rddreg [dreg:$0xa];
	[sflag:s31] =	ssyncadd.s32 $0xFFFFF830  }
0x67: {  	[spmem:s16] =	stream.linear.scatter [tilespmem:s30], [sflag:$0x4], $0x1F40, $0x38;
	[tilespmem:$0x1EFF0] =	vst v63  }
0x68: {  	_ =	swait.ge [sflag:s31], $0x1F40  }
0x69: {  	[sflag:s31] =	ssyncset.done $0x0  }
0x6a: {  	s17 =	rddreg [dreg:$0xb];
	[sflag:s31] =	ssyncadd.s32 $0xFFFFE0C0  }
0x6b: {  	[spmem:s17] =	stream.linear.scatter [tilespmem:s0], [sflag:$0x4], $0x7D0, $0x38;
	[tilespmem:$0x1EFF0] =	vst v63  }
0x6c: {  	_ =	swait.ge [sflag:s31], $0x7D0  }
0x6d: {  	[sflag:s31] =	ssyncset.done $0x0  }
0x6e: {  	s18 =	rddreg [dreg:$0xe];
	[sflag:s31] =	ssyncadd.s32 $0xFFFFF830  }
0x6f: {  	[spmem:s18] =	stream.linear.scatter [tilespmem:s30], [sflag:$0x4], $0x1F40, $0x38;
	[tilespmem:$0x1EFF0] =	vst v63  }
0x70: {  	_ =	swait.ge [sflag:s31], $0x1F40  }
0x71: {  	[sflag:s31] =	ssyncset.done $0x0  }
0x72: {  	s13 =	rddreg [dreg:$0x10];
	[sflag:s31] =	ssyncadd.s32 $0xFFFFE0C0  }
0x73: {  	[spmem:s13] =	stream.linear.scatter [tilespmem:s0], [sflag:$0x4], $0x7D0, $0x38;
	[tilespmem:$0x1EFF0] =	vst v63  }
0x74: {  	_ =	swait.ge [sflag:s31], $0x7D0  }
0x75: {  	[sflag:s31] =	ssyncset.done $0x0  }
0x76: {  	s14 =	rddreg [dreg:$0x11];
	[sflag:s31] =	ssyncadd.s32 $0xFFFFF830  }
0x77: {  	[spmem:s14] =	stream.linear.scatter [tilespmem:s30], [sflag:$0x4], $0x1F40, $0x38;
	[tilespmem:$0x1EFF0] =	vst v63  }
0x78: {  	_ =	swait.ge [sflag:s31], $0x1F40  }
0x79: {  	[sflag:s31] =	ssyncset.done $0x0  }
0x7a: {  	s15 =	rddreg [dreg:$0x12];
	[sflag:s31] =	ssyncadd.s32 $0xFFFFE0C0  }
0x7b: {  	[spmem:s15] =	stream.linear.scatter [tilespmem:s0], [sflag:$0x4], $0x7D0, $0x38;
	[tilespmem:$0x1EFF0] =	vst v63  }
0x7c: {  	_ =	swait.ge [sflag:s31], $0x7D0  }
0x7d: {  	[sflag:s31] =	ssyncset.done $0x0  }
0x7e: {  	s12 =	simm.s32 $0x0;
	s13 =	rddreg [dreg:$0xc];
	[sflag:s31] =	ssyncadd.s32 $0xFFFFF830  }
0x7f: {  	[tilespmem:s12], [sflag:$0x4] =	stream.linear.gather [hbm4b:s13+s12], $0x5000, $0x38;
	[tilespmem:$0x1EFF0] =	vst v63  }
0x80: {  	_ =	swait.ge [sflag:s31], $0x5000  }
0x81: {  	[sflag:s31] =	ssyncset.done $0x0  }
0x82: {  	s16 =	simm.s32 $0x5000;
	[sflag:s31] =	ssyncadd.s32 $0xFFFFB000  }
0x83: {  	[tilespmem:s16], [sflag:$0x4] =	stream.linear.gather [hbm4b:s19+s12], $0x5000, $0x38;
	[tilespmem:$0x1EFF0] =	vst v63  }
0x84: {  	_ =	swait.ge [sflag:s31], $0x5000  }
0x85: {  	[sflag:s31] =	ssyncset.done $0x0  }
0x86: {  	[sflag:s31] =	ssyncadd.s32 $0xFFFFB000  }
0x87: {  	[tilespmem:s6], [sflag:$0x1] =	stream.indirect.gather [hbm4b:s1+s4], $0x40, s12, s4, $0xb8;
	[tilespmem:$0x1EFF0] =	vst v63  }
0x88: {  	s17 =	simm.s32 $0x80  }
0x89: {  	[tilespmem:s7], [sflag:$0x1] =	stream.indirect.gather [hbm4b:s1+s4], $0x40, s17, s4, $0xb8;
	[tilespmem:$0x1EFF0] =	vst v63  }
0x8a: {  	s18 =	simm.s32 $0x100  }
0x8b: {  	[tilespmem:s8], [sflag:$0x1] =	stream.indirect.gather [hbm4b:s1+s4], $0x40, s18, s4, $0xb8;
	[tilespmem:$0x1EFF0] =	vst v63  }
0x8c: {  	s13 =	simm.s32 $0x2;
	[bflag:$0x0] =	sbarrier.arrive $0xFFFF  }
.LBB2_4:
0x8d: {  	_ =	swait.ge [sflag:s9], $0x1F40;
	s15 =	sadd.s32 $0xFFFFFFFE, s13  }
0x8e: {  	s14 =	sshra.s32 s12, $0x2;
	[sflag:s9] =	ssyncset.done $0x0;
	p2 =	slt.u32 s15, s20  }
0x8f: {  	s16 =	sadd.s32 $0x5000, s14;
	[sflag:s9] =	ssyncadd.s32 $0xFFFFE0C0;
	p3 =	sge.u32 @!p2 s15, s29  }
0x90: {  	[spmem:s2] =	stream.indirect.scatter.add.f32 [tilespmem:s6], [sflag:$0x2], $0x40, s16, s4, $0xb8;
	[tilespmem:$0x1EFF0] =	vst v63  }
0x91: {  	p3 =	por p3, p2  }
0x92: {  	s17 =	simm.s32 @!p3 $0x7D;
	s18 =	simm.s32 @!p3 $0x11D00  }
0x93: {  	[spmem:s3] =	stream.indirect.scatter.add.f32 @!p3 [tilespmem:s18], [sflag:$0x3], $0x10, s16, s17, $0xb8;
	[tilespmem:$0x1EFF0] =	vst v63  }
0x94: {  	p3 =	sle.u32 s15, s20  }
0x95: {  	p4 =	sge.u32 @!p3 s15, s29  }
0x96: {  	p3 =	por p4, p3  }
0x97: {  	s15 =	simm.s32 @!p3 $0x3  }
0x98: {  	_ =	swait.ge @!p3 [sflag:s15], $0x7D0  }
0x99: {  	[sflag:s15] =	ssyncset.done @!p3 $0x0  }
0x9a: {  	[sflag:s15] =	ssyncadd.s32 @!p3 $0xFFFFF830  }
0x9b: {  	_ =	swait.ge [sflag:s10], $0x1F40  }
0x9c: {  	[sflag:s10] =	ssyncset.done $0x0  }
0x9d: {  	s18 =	sadd.s32 $0x180, s14;
	s15 =	sadd.s32 $0xFFFFFFFF, s13;
	[sflag:s10] =	ssyncadd.s32 $0xFFFFE0C0  }
0x9e: {  	[tilespmem:s6], [sflag:$0x1] =	stream.indirect.gather [hbm4b:s1+s4], $0x40, s18, s4, $0xb8;
	[tilespmem:$0x1EFF0] =	vst v63  }
0x9f: {  	p3 =	slt.u32 s15, s20;
	_ =	swait.ge [sflag:s9], $0x1F40  }
0xa0: {  	p4 =	sge.u32 @!p3 s15, s29;
	[sflag:s9] =	ssyncset.done $0x0  }
0xa1: {  	s16 =	sadd.s32 $0x5080, s14;
	p3 =	por p4, p3;
	[sflag:s9] =	ssyncadd.s32 $0xFFFFE0C0  }
0xa2: {  	[spmem:s2] =	stream.indirect.scatter.add.f32 [tilespmem:s7], [sflag:$0x2], $0x40, s16, s4, $0xb8;
	[tilespmem:$0x1EFF0] =	vst v63  }
0xa3: {  	s17 =	simm.s32 @!p3 $0x7D;
	s18 =	simm.s32 @!p3 $0x11D00  }
0xa4: {  	[spmem:s3] =	stream.indirect.scatter.add.f32 @!p3 [tilespmem:s18], [sflag:$0x3], $0x10, s16, s17, $0xb8;
	[tilespmem:$0x1EFF0] =	vst v63  }
0xa5: {  	p3 =	sge.u32 @!p2 s15, s29  }
0xa6: {  	p2 =	por p3, p2  }
0xa7: {  	s15 =	simm.s32 @!p2 $0x3  }
0xa8: {  	_ =	swait.ge @!p2 [sflag:s15], $0x7D0  }
0xa9: {  	[sflag:s15] =	ssyncset.done @!p2 $0x0  }
0xaa: {  	[sflag:s15] =	ssyncadd.s32 @!p2 $0xFFFFF830  }
0xab: {  	p2 =	seq.s32 s12, $0x13800;
	_ =	swait.ge [sflag:s10], $0x1F40  }
0xac: {  	s15 =	sshra.s32 @!p2 s12, $0x2;
	s16 =	simm.s32 @!p2 $0x7D;
	[sflag:s10] =	ssyncset.done $0x0  }
0xad: {  	s17 =	simm.s32 @!p2 $0xBF40;
	s15 =	sadd.s32 @!p2 $0x200, s15;
	[sflag:s10] =	ssyncadd.s32 $0xFFFFE0C0  }
0xae: {  	[tilespmem:s17], [sflag:$0x1] =	stream.indirect.gather @!p2 [hbm4b:s1+s16], $0x40, s15, s16, $0xb8;
	[tilespmem:$0x1EFF0] =	vst v63  }
0xaf: {  	p3 =	slt.u32 s13, s20;
	_ =	swait.ge [sflag:s9], $0x1F40  }
0xb0: {  	p4 =	sge.u32 @!p3 s13, s29;
	[sflag:s9] =	ssyncset.done $0x0  }
0xb1: {  	p3 =	por p4, p3;
	s15 =	sadd.s32 $0x5100, s14;
	[sflag:s9] =	ssyncadd.s32 $0xFFFFE0C0  }
0xb2: {  	[spmem:s2] =	stream.indirect.scatter.add.f32 [tilespmem:s8], [sflag:$0x2], $0x40, s15, s4, $0xb8;
	[tilespmem:$0x1EFF0] =	vst v63  }
0xb3: {  	s16 =	simm.s32 @!p3 $0x7D;
	s17 =	simm.s32 @!p3 $0x11D00  }
0xb4: {  	[spmem:s3] =	stream.indirect.scatter.add.f32 @!p3 [tilespmem:s17], [sflag:$0x3], $0x10, s15, s16, $0xb8;
	[tilespmem:$0x1EFF0] =	vst v63  }
0xb5: {  	p3 =	sle.u32 s13, s20  }
0xb6: {  	p4 =	sge.u32 @!p3 s13, s29  }
0xb7: {  	p3 =	por p4, p3  }
0xb8: {  	s15 =	simm.s32 @!p3 $0x3  }
0xb9: {  	_ =	swait.ge @!p3 [sflag:s15], $0x7D0  }
.Ltmp3:
0xba: {  	[sflag:s15] =	ssyncset.done @!p3 $0x0;
	(pc) =	sbr.rel @p2 .LBB2_6-.Ltmp3, $4  }
0xbb: {  	[sflag:s15] =	ssyncadd.s32 @!p3 $0xFFFFF830  }
0xbc: {  	_ =	swait.ge [sflag:s10], $0x1F40  }
0xbd: {  	[sflag:s10] =	ssyncset.done $0x0  }
0xbe: {  	[sflag:s10] =	ssyncadd.s32 $0xFFFFE0C0  }
.Ltmp4:
0xbf: {  	(pc) =	sbr.rel .LBB2_4-.Ltmp4, $3  }
0xc0: {  	_ =	sdelay $0x1  }
0xc1: {  	s14 =	sadd.s32 $0x280, s14;
	s12 =	sadd.s32 $0x600, s12;
	s13 =	sadd.s32 $0x3, s13  }
0xc2: {  	[tilespmem:s8], [sflag:$0x1] =	stream.indirect.gather [hbm4b:s1+s4], $0x40, s14, s4, $0xb8;
	[tilespmem:$0x1EFF0] =	vst v63  }
.LBB2_7:
0xc3: {  	_ =	sfence.sel $0x180000  }
0xc4: {  	[bflag:$0x0] =	sbarrier.arrive $0xFFFF  }
0xc5: {  	_ =	strace $0x90000047  }
0xc6: {  	[bflag:$0x2] =	sbarrier.arrive $0xFFFF  }
0xc7: {  	s0 =	rddreg [dreg:$0x5]  }
0xc8: {  	s0 =	sadd.s32 @!p1 $0x100000, s0  }
0xc9: {  	[sflag:s0] =	ssyncadd.tile.s32 @!p1 $0x1;
	_ =	shalt  }
.Lfunc_end2:
_tile_overlayer_lowered:
.L_overlay_start_2:
0xca: {  	(tag) =	ssettag $0x2  }
0xcb: {  	s0 =	rddreg [dreg:$0x0];
	s2 =	stileid.u32  }
0xcc: {  	s1 =	rddreg [dreg:$0x1];
	p0 =	sne.s32 s2, $0x0  }
0xcd: {  	s3 =	rddreg [dreg:$0x2];
	[bflag:$0x3] =	sbarrier.arrive $0xFFFF;
	s2 =	simm.s32 @!p0 $0x1C04  }
0xce: {  	[timem:s3], [sflag:s2] =	dma.local @!p0 [hbm:s0], s1  }
0xcf: {  	s0 =	simm.s32 @!p0 $0x4  }
0xd0: {  	_ =	swait.ge @!p0 [sflag:s0], s1  }
0xd1: {  	s1 =	ssub.s32 @!p0 $0x0, s1;
	[sflag:s0] =	ssyncset.done @!p0 $0x0  }
0xd2: {  	[sflag:s0] =	ssyncadd.s32 @!p0 s1  }
0xd3: {  	[bflag:$0x3] =	sbarrier.arrive $0xFFFF  }
0xd4: {  	_ =	shalt  }

</sc_bundles>
